<compile_context>
chip_gen: v7x
topology: tpu7x:2x2x1
jax: 0.10.2.dev20260603
libtpu: 0.0.44.dev20260713+nightly
codegen_flags: <defaults>
</compile_context>

<pallas_src>
import functools

import jax
import jax.numpy as jnp
from jax import lax
from jax.experimental import pallas as pl
from jax.experimental.pallas import tpu as pltpu
from jax.experimental.pallas import tpu_sc as plsc

_N = 5000
_P = 5120
_B = 128
_NBLK = _P // _B
_TH = 0.75
_OFF = 4000.0

_NC, _NS = 2, 16
_NW = _NC * _NS
_ROWS_PER = _P // _NW
_CHN = 80
_NCH = _ROWS_PER // _CHN


def _prep_body(boxest_ref, scol_ref, srow_ref, clsrow_ref, rank_ref,
               data_ref, racc_ref):
    bt = boxest_ref[...]
    offr = clsrow_ref[...] * _OFF
    bofft = bt + offr
    arear = (jnp.maximum(bofft[2:3, :] - bofft[0:1, :], 0.0)
             * jnp.maximum(bofft[3:4, :] - bofft[1:2, :], 0.0))
    slab = jnp.concatenate(
        [bofft, srow_ref[...], bt, arear,
         jnp.zeros((6, _P), jnp.float32)], axis=0)
    data_ref[...] = jnp.transpose(slab)

    racc_ref[...] = jnp.zeros((1, _P), jnp.int32)
    lane = lax.broadcasted_iota(jnp.int32, (1, _B), 1)
    subl = lax.broadcasted_iota(jnp.int32, (_B, 1), 0)

    def blk(p, carry):
        s0 = pl.multiple_of(p * _B, _B)
        sp = scol_ref[pl.ds(s0, _B), :]
        ip = subl + s0

        def ctile(c0):
            sq = srow_ref[0:1, pl.ds(c0, _B)]
            jq = lane + c0
            return ((sq > sp) | ((sq == sp) & (jq < ip))).astype(jnp.int32)

        acc0 = ctile(s0)

        def qtile(c0, acc):
            c = ctile(c0)
            colsum = jnp.sum(c, axis=0, keepdims=True)
            racc_ref[0:1, pl.ds(c0, _B)] = (
                racc_ref[0:1, pl.ds(c0, _B)] + (_B - colsum))
            return acc + c

        nt = _NBLK - 1 - p
        odd = nt & 1
        first = s0 + _B
        acc0 = lax.cond(
            odd == 1,
            lambda: qtile(pl.multiple_of(first, _B), acc0),
            lambda: acc0)
        pstart = first + odd * _B

        def qpair(t, acc):
            c0 = pl.multiple_of(pstart + 2 * t * _B, _B)
            acc = qtile(c0, acc)
            return qtile(pl.multiple_of(c0 + _B, _B), acc)

        acc = lax.fori_loop(0, nt >> 1, qpair, acc0)
        rank_ref[pl.ds(s0, _B), :] = (
            jnp.sum(acc, axis=1, keepdims=True)
            + jnp.transpose(racc_ref[0:1, pl.ds(s0, _B)]))
        return carry

    lax.fori_loop(0, _NBLK, blk, 0)


def _prep(boxes_t, scol, srow, cls_row):
    return pl.pallas_call(
        _prep_body,
        out_shape=[
            jax.ShapeDtypeStruct((_P, 1), jnp.int32),
            jax.ShapeDtypeStruct((_P, 16), jnp.float32),
        ],
        scratch_shapes=[pltpu.VMEM((1, _P), jnp.int32)],
    )(boxes_t, scol, srow, cls_row)


def _sc_scatter(data, rank2d):
    mesh = plsc.VectorSubcoreMesh(
        core_axis_name="c", subcore_axis_name="s",
        num_cores=_NC, num_subcores=_NS)

    @functools.partial(
        pl.kernel,
        out_type=jax.ShapeDtypeStruct((_P, 16), jnp.float32),
        mesh=mesh,
        scratch_types=[
            pltpu.VMEM((_NCH, _CHN), jnp.int32),
            pltpu.VMEM((_ROWS_PER, 16), jnp.float32),
            pltpu.SemaphoreType.DMA,
        ],
        compiler_params=pltpu.CompilerParams(use_tc_tiling_on_sc=False),
    )
    def k(data_hbm, rank_hbm, out_hbm, idx_v, rows_v, sem):
        wid = lax.axis_index("s") * _NC + lax.axis_index("c")
        base = wid * _ROWS_PER
        pltpu.sync_copy(rank_hbm.at[pl.ds(wid * _NCH, _NCH)], idx_v)
        pltpu.sync_copy(data_hbm.at[pl.ds(base, _ROWS_PER)], rows_v)
        for c in range(_NCH):
            pltpu.async_copy(
                rows_v.at[pl.ds(c * _CHN, _CHN)],
                out_hbm.at[idx_v.at[c]],
                sem,
            ).wait()

    return k(data, rank2d)


def _nms_body(d_ref, out_ref, m_ref, sup_ref, t_ref):
    t_ref[...] = jnp.transpose(d_ref[...])
    sup_ref[...] = jnp.zeros((1, _P), jnp.float32)
    tri = (lax.broadcasted_iota(jnp.int32, (_B, _B), 0)
           < lax.broadcasted_iota(jnp.int32, (_B, _B), 1)).astype(jnp.float32)

    def blk(k, carry):
        s0 = pl.multiple_of(k * _B, _B)
        x1i = d_ref[pl.ds(s0, _B), 0:1]
        y1i = d_ref[pl.ds(s0, _B), 1:2]
        x2i = d_ref[pl.ds(s0, _B), 2:3]
        y2i = d_ref[pl.ds(s0, _B), 3:4]
        ai = d_ref[pl.ds(s0, _B), 9:10]

        def tile_sup(c0):
            x1j = t_ref[0:1, pl.ds(c0, _B)]
            y1j = t_ref[1:2, pl.ds(c0, _B)]
            x2j = t_ref[2:3, pl.ds(c0, _B)]
            y2j = t_ref[3:4, pl.ds(c0, _B)]
            aj = t_ref[9:10, pl.ds(c0, _B)]
            xx1 = jnp.maximum(x1i, x1j)
            yy1 = jnp.maximum(y1i, y1j)
            xx2 = jnp.minimum(x2i, x2j)
            yy2 = jnp.minimum(y2i, y2j)
            inter = jnp.maximum(xx2 - xx1, 0.0) * jnp.maximum(yy2 - yy1, 0.0)
            union = ai + aj - inter
            iou = inter / jnp.maximum(union, 1e-9)
            return (iou > _TH).astype(jnp.float32)

        m = tile_sup(s0) * tri
        m_ref[...] = m
        mtot = jnp.sum(m)
        sub0 = sup_ref[0:1, pl.ds(s0, _B)]

        def jcond(c):
            return c[1]

        def jbody(c):
            sub, _ = c
            cnt = jnp.dot(1.0 - sub, m_ref[...],
                          preferred_element_type=jnp.float32)
            new = jnp.maximum(sub0, (cnt > 0.5).astype(jnp.float32))
            return new, jnp.any(new != sub)

        sub = lax.cond(
            mtot > 0.0,
            lambda: lax.while_loop(jcond, jbody, (sub0, True))[0],
            lambda: sub0)
        sup_ref[0:1, pl.ds(s0, _B)] = sub

        subcol = jnp.transpose(sub)
        x1ia = x1i + subcol * 1e9

        def tile_max(c0):
            x1j = t_ref[0:1, pl.ds(c0, _B)]
            y1j = t_ref[1:2, pl.ds(c0, _B)]
            x2j = t_ref[2:3, pl.ds(c0, _B)]
            y2j = t_ref[3:4, pl.ds(c0, _B)]
            aj = t_ref[9:10, pl.ds(c0, _B)]
            xx1 = jnp.maximum(x1ia, x1j)
            yy1 = jnp.maximum(y1i, y1j)
            xx2 = jnp.minimum(x2i, x2j)
            yy2 = jnp.minimum(y2i, y2j)
            inter = jnp.maximum(xx2 - xx1, 0.0) * jnp.maximum(yy2 - yy1, 0.0)
            union = ai + aj - inter
            iou = inter / jnp.maximum(union, 1e-9)
            return jnp.max(iou, axis=0, keepdims=True)

        def upd(c0, red):
            sup_ref[0:1, pl.ds(c0, _B)] = jnp.maximum(
                sup_ref[0:1, pl.ds(c0, _B)],
                (red > _TH).astype(jnp.float32))

        nt = _NBLK - 1 - k
        odd = nt & 1
        first = s0 + _B

        @pl.when(odd == 1)
        def _():
            upd(pl.multiple_of(first, _B), tile_max(pl.multiple_of(first, _B)))

        pstart = first + odd * _B

        def pair(t, carry2):
            c0 = pl.multiple_of(pstart + 2 * t * _B, _B)
            c1 = pl.multiple_of(c0 + _B, _B)
            red = jnp.concatenate([tile_max(c0), tile_max(c1)], axis=1)
            sup_ref[0:1, pl.ds(c0, 2 * _B)] = jnp.maximum(
                sup_ref[0:1, pl.ds(c0, 2 * _B)],
                (red > _TH).astype(jnp.float32))
            return carry2

        lax.fori_loop(0, nt >> 1, pair, 0)
        return carry

    lax.fori_loop(0, _NBLK, blk, 0)

    keep = 1.0 - sup_ref[0:1, :]
    slab = jnp.concatenate(
        [t_ref[5:9, :] * keep, t_ref[4:5, :] * keep,
         jnp.zeros((3, _P), jnp.float32)], axis=0)
    out_ref[...] = jnp.transpose(slab)


def _nms(sorted_rows):
    return pl.pallas_call(
        _nms_body,
        out_shape=jax.ShapeDtypeStruct((_P, 8), jnp.float32),
        scratch_shapes=[
            pltpu.VMEM((_B, _B), jnp.float32),
            pltpu.VMEM((1, _P), jnp.float32),
            pltpu.VMEM((16, _P), jnp.float32),
        ],
    )(sorted_rows)


def kernel(boxes, scores, classes):
    boxes = boxes.astype(jnp.float32)
    scores = scores.astype(jnp.float32)
    clsf = classes.astype(jnp.float32)
    pad = _P - boxes.shape[0]
    boxes_t = jnp.pad(boxes, ((0, pad), (0, 0))).T
    scol = jnp.pad(scores, (0, pad), constant_values=-1.0).reshape(_P, 1)
    srow = scol.reshape(1, _P)
    cls_row = jnp.pad(clsf, (0, pad)).reshape(1, _P)

    rank, data = _prep(boxes_t, scol, srow, cls_row)
    rank2d = rank.reshape(_P // _CHN, _CHN)
    sorted_rows = _sc_scatter(data, rank2d)
    outp = _nms(sorted_rows)
    return outp[:_N, :5]

# --- scband reference (transcript-rebuilt; emitter-appended) ---
"""Pipeline reference for scband-generalized-rcnnwith-tta-68616397521143 (READ-ONLY COPY).

The authoritative reference and input builder live on the scoring server;
editing this copy changes nothing except your own understanding.
"""

import jax, jax.numpy as jnp
import numpy as np

N = 5000
NUM_CLASSES = 80
IOU_THRESH = 0.75
CLASS_OFFSET = 4000.0


def setup_inputs(seed: int = 0) -> dict:
    key = jax.random.key(seed)
    k1, k2, k3, k4, k5, k6 = jax.random.split(key, 6)
    # realistic detector-style boxes on a ~1333x800 image (xyxy, valid: x1<x2, y1<y2)
    cx = jax.random.uniform(k1, (N,)) * 1333.0
    cy = jax.random.uniform(k2, (N,)) * 800.0
    w = jax.random.uniform(k3, (N,)) * 200.0 + 4.0
    h = jax.random.uniform(k4, (N,)) * 200.0 + 4.0
    boxes = jnp.stack([cx - w / 2, cy - h / 2, cx + w / 2, cy + h / 2], axis=1).astype(jnp.float32)
    scores = jax.random.uniform(k5, (N,)).astype(jnp.float32)
    classes = jax.random.randint(k6, (N,), 0, NUM_CLASSES).astype(jnp.int64)
    return {"boxes": boxes, "scores": scores, "classes": classes}


def _pairwise_iou(b):
    x1, y1, x2, y2 = b[:, 0], b[:, 1], b[:, 2], b[:, 3]
    area = jnp.clip(x2 - x1, 0.0) * jnp.clip(y2 - y1, 0.0)
    xx1 = jnp.maximum(x1[:, None], x1[None, :])
    yy1 = jnp.maximum(y1[:, None], y1[None, :])
    xx2 = jnp.minimum(x2[:, None], x2[None, :])
    yy2 = jnp.minimum(y2[:, None], y2[None, :])
    inter = jnp.clip(xx2 - xx1, 0.0) * jnp.clip(yy2 - yy1, 0.0)
    union = area[:, None] + area[None, :] - inter
    return inter / jnp.maximum(union, 1e-9)


def _nms_keep(iou):
    n = iou.shape[0]
    idx = jnp.arange(n)

    def body(i, keep):
        sup = (iou[i] > IOU_THRESH) & (idx > i)
        return jnp.where(keep[i], keep & (~sup), keep)

    return jax.lax.fori_loop(0, n, body, jnp.ones(n, dtype=bool))


def reference(boxes, scores, classes):
    # class-aware NMS via per-class coordinate offset (merge_method='nms', iou=0.75)
    offset = classes.astype(boxes.dtype) * CLASS_OFFSET
    boxes_off = boxes + offset[:, None]
    order = jnp.argsort(-scores)
    b_off = boxes_off[order]
    s = scores[order]
    b = boxes[order]
    iou = _pairwise_iou(b_off)
    keep = _nms_keep(iou)
    kept_scores = s * keep.astype(s.dtype)
    kept_boxes = b * keep[:, None].astype(b.dtype)
    return jnp.concatenate([kept_boxes, kept_scores[:, None]], axis=1)

if __name__ == "__main__":
    import jax
    _d = setup_inputs()
    print(jax.jit(kernel)(*tuple(_d.values())))

</pallas_src>

<mosaic_0001>
#map = affine_map<(d0, d1) -> (0, 0)>
module attributes {stable_mosaic.version = 14 : i64} {
  func.func @k(%arg0: i32, %arg1: i32, %arg2: memref<5120x16xf32, #tpu.memory_space<hbm>>, %arg3: memref<64x80xi32, #tpu.memory_space<hbm>>, %arg4: memref<5120x16xf32, #tpu.memory_space<hbm>>, %arg5: memref<2x80xi32, #tpu.memory_space<vmem>>, %arg6: memref<160x16xf32, #tpu.memory_space<vmem>>, %arg7: memref<!tpu.dma_semaphore, #tpu.memory_space<semaphore_mem>>) attributes {dimension_semantics = [#tpu.dimension_semantics<core_parallel>, #tpu.dimension_semantics<subcore_parallel>], iteration_bounds = array<i64: 2, 16>, scalar_prefetch = 0 : i64, scratch_operands = 3 : i64, tpu.core_type = #tpu.core_type<sc_vector_subcore>, window_params = [{transform_indices = #map}, {transform_indices = #map}, {transform_indices = #map}]} {
    %mul3A = arith.constant 2 : i32
    %mul3A_0 = arith.muli %arg1, %mul3A : i32
    %add3A = arith.addi %mul3A_0, %arg0 : i32
    %mul3A_1 = arith.constant 160 : i32
    %mul3A_2 = arith.muli %add3A, %mul3A_1 : i32
    %mul3A_3 = arith.constant 2 : i32
    %mul3A_4 = arith.muli %add3A, %mul3A_3 : i32
    "tpu.region"() ({
      %run_scoped3A = tpu.sem_alloc : memref<!tpu.dma_semaphore, #tpu.memory_space<semaphore_mem>>
      %dma_start3A_43 = arith.constant 0 : i32
      %dma_start3A_44 = tpu.memref_slice %arg3[%mul3A_4, %dma_start3A_43] : memref<64x80xi32, #tpu.memory_space<hbm>> -> memref<2x80xi32, #tpu.memory_space<hbm>>
      %dma_start3A_45 = arith.constant 0 : i32
      %dma_start3A_46 = tpu.memref_slice %arg3[%mul3A_4, %dma_start3A_45] : memref<64x80xi32, #tpu.memory_space<hbm>> -> memref<2x80xi32, #tpu.memory_space<hbm>>
      tpu.enqueue_dma source(%dma_start3A_46 : memref<2x80xi32, #tpu.memory_space<hbm>>) target(%arg5 : memref<2x80xi32, #tpu.memory_space<vmem>>) target_semaphore(%run_scoped3A : memref<!tpu.dma_semaphore, #tpu.memory_space<semaphore_mem>>)
      %dma_wait3A_47 = arith.constant 0 : i32
      %dma_wait3A_48 = tpu.memref_slice %arg3[%mul3A_4, %dma_wait3A_47] : memref<64x80xi32, #tpu.memory_space<hbm>> -> memref<2x80xi32, #tpu.memory_space<hbm>>
      %dma_wait3A_49 = arith.constant 0 : i32
      %dma_wait3A_50 = tpu.memref_slice %arg3[%mul3A_4, %dma_wait3A_49] : memref<64x80xi32, #tpu.memory_space<hbm>> -> memref<2x80xi32, #tpu.memory_space<hbm>>
      tpu.wait_dma2 semaphore(%run_scoped3A : memref<!tpu.dma_semaphore, #tpu.memory_space<semaphore_mem>>) src(%dma_wait3A_50 : memref<2x80xi32, #tpu.memory_space<hbm>>) dst(%arg5 : memref<2x80xi32, #tpu.memory_space<vmem>>)
      tpu.yield
    }) : () -> ()
    "tpu.region"() ({
      %run_scoped3A = tpu.sem_alloc : memref<!tpu.dma_semaphore, #tpu.memory_space<semaphore_mem>>
      %dma_start3A_43 = arith.constant 0 : i32
      %dma_start3A_44 = tpu.memref_slice %arg2[%mul3A_2, %dma_start3A_43] : memref<5120x16xf32, #tpu.memory_space<hbm>> -> memref<160x16xf32, #tpu.memory_space<hbm>>
      %dma_start3A_45 = arith.constant 0 : i32
      %dma_start3A_46 = tpu.memref_slice %arg2[%mul3A_2, %dma_start3A_45] : memref<5120x16xf32, #tpu.memory_space<hbm>> -> memref<160x16xf32, #tpu.memory_space<hbm>>
      tpu.enqueue_dma source(%dma_start3A_46 : memref<160x16xf32, #tpu.memory_space<hbm>>) target(%arg6 : memref<160x16xf32, #tpu.memory_space<vmem>>) target_semaphore(%run_scoped3A : memref<!tpu.dma_semaphore, #tpu.memory_space<semaphore_mem>>)
      %dma_wait3A_47 = arith.constant 0 : i32
      %dma_wait3A_48 = tpu.memref_slice %arg2[%mul3A_2, %dma_wait3A_47] : memref<5120x16xf32, #tpu.memory_space<hbm>> -> memref<160x16xf32, #tpu.memory_space<hbm>>
      %dma_wait3A_49 = arith.constant 0 : i32
      %dma_wait3A_50 = tpu.memref_slice %arg2[%mul3A_2, %dma_wait3A_49] : memref<5120x16xf32, #tpu.memory_space<hbm>> -> memref<160x16xf32, #tpu.memory_space<hbm>>
      tpu.wait_dma2 semaphore(%run_scoped3A : memref<!tpu.dma_semaphore, #tpu.memory_space<semaphore_mem>>) src(%dma_wait3A_50 : memref<160x16xf32, #tpu.memory_space<hbm>>) dst(%arg6 : memref<160x16xf32, #tpu.memory_space<vmem>>)
      tpu.yield
    }) : () -> ()
    %dma_start3A = arith.constant 0 : i32
    %dma_start3A_5 = arith.constant 0 : i32
    %dma_start3A_6 = arith.constant 0 : i32
    %dma_start3A_7 = tpu.memref_slice %arg6[%dma_start3A_5, %dma_start3A_6] : memref<160x16xf32, #tpu.memory_space<vmem>> -> memref<80x16xf32, #tpu.memory_space<vmem>>
    %dma_start3A_8 = arith.constant 0 : i32
    %dma_start3A_9 = tpu.memref_slice %arg5[%dma_start3A, %dma_start3A_8] : memref<2x80xi32, #tpu.memory_space<vmem>> -> memref<1x80xi32, #tpu.memory_space<vmem>>
    %dma_start3A_10 = tpu.memref_squeeze %dma_start3A_9 : memref<1x80xi32, #tpu.memory_space<vmem>> -> memref<80xi32, #tpu.memory_space<vmem>>
    %dma_start3A_11 = arith.constant 0 : i32
    %dma_start3A_12 = arith.constant 0 : i32
    %dma_start3A_13 = tpu.memref_slice %arg4[%dma_start3A_11, %dma_start3A_12] : memref<5120x16xf32, #tpu.memory_space<hbm>> -> memref<5120x16xf32, #tpu.memory_space<hbm>>
    tpu.enqueue_indirect_dma source(%dma_start3A_7 : memref<80x16xf32, #tpu.memory_space<vmem>>) target(%dma_start3A_13 : memref<5120x16xf32, #tpu.memory_space<hbm>>) offsets(%dma_start3A_10 : memref<80xi32, #tpu.memory_space<vmem>>) semaphore(%arg7 : memref<!tpu.dma_semaphore, #tpu.memory_space<semaphore_mem>>)
    %dma_wait3A = arith.constant 0 : i32
    %dma_wait3A_14 = arith.constant 0 : i32
    %dma_wait3A_15 = arith.constant 0 : i32
    %dma_wait3A_16 = tpu.memref_slice %arg6[%dma_wait3A_14, %dma_wait3A_15] : memref<160x16xf32, #tpu.memory_space<vmem>> -> memref<80x16xf32, #tpu.memory_space<vmem>>
    %dma_wait3A_17 = arith.constant 0 : i32
    %dma_wait3A_18 = tpu.memref_slice %arg5[%dma_wait3A, %dma_wait3A_17] : memref<2x80xi32, #tpu.memory_space<vmem>> -> memref<1x80xi32, #tpu.memory_space<vmem>>
    %dma_wait3A_19 = tpu.memref_squeeze %dma_wait3A_18 : memref<1x80xi32, #tpu.memory_space<vmem>> -> memref<80xi32, #tpu.memory_space<vmem>>
    %dma_wait3A_20 = arith.constant 0 : i32
    %dma_wait3A_21 = arith.constant 0 : i32
    %dma_wait3A_22 = tpu.memref_slice %arg4[%dma_wait3A_20, %dma_wait3A_21] : memref<5120x16xf32, #tpu.memory_space<hbm>> -> memref<5120x16xf32, #tpu.memory_space<hbm>>
    tpu.wait_indirect_dma semaphore(%arg7 : memref<!tpu.dma_semaphore, #tpu.memory_space<semaphore_mem>>) src(%dma_wait3A_16 : memref<80x16xf32, #tpu.memory_space<vmem>>) dst(%dma_wait3A_22 : memref<5120x16xf32, #tpu.memory_space<hbm>>)
    %dma_start3A_23 = arith.constant 1 : i32
    %dma_start3A_24 = arith.constant 80 : i32
    %dma_start3A_25 = arith.constant 0 : i32
    %dma_start3A_26 = tpu.memref_slice %arg6[%dma_start3A_24, %dma_start3A_25] : memref<160x16xf32, #tpu.memory_space<vmem>> -> memref<80x16xf32, #tpu.memory_space<vmem>>
    %dma_start3A_27 = arith.constant 0 : i32
    %dma_start3A_28 = tpu.memref_slice %arg5[%dma_start3A_23, %dma_start3A_27] : memref<2x80xi32, #tpu.memory_space<vmem>> -> memref<1x80xi32, #tpu.memory_space<vmem>>
    %dma_start3A_29 = tpu.memref_squeeze %dma_start3A_28 : memref<1x80xi32, #tpu.memory_space<vmem>> -> memref<80xi32, #tpu.memory_space<vmem>>
    %dma_start3A_30 = arith.constant 0 : i32
    %dma_start3A_31 = arith.constant 0 : i32
    %dma_start3A_32 = tpu.memref_slice %arg4[%dma_start3A_30, %dma_start3A_31] : memref<5120x16xf32, #tpu.memory_space<hbm>> -> memref<5120x16xf32, #tpu.memory_space<hbm>>
    tpu.enqueue_indirect_dma source(%dma_start3A_26 : memref<80x16xf32, #tpu.memory_space<vmem>>) target(%dma_start3A_32 : memref<5120x16xf32, #tpu.memory_space<hbm>>) offsets(%dma_start3A_29 : memref<80xi32, #tpu.memory_space<vmem>>) semaphore(%arg7 : memref<!tpu.dma_semaphore, #tpu.memory_space<semaphore_mem>>)
    %dma_wait3A_33 = arith.constant 1 : i32
    %dma_wait3A_34 = arith.constant 80 : i32
    %dma_wait3A_35 = arith.constant 0 : i32
    %dma_wait3A_36 = tpu.memref_slice %arg6[%dma_wait3A_34, %dma_wait3A_35] : memref<160x16xf32, #tpu.memory_space<vmem>> -> memref<80x16xf32, #tpu.memory_space<vmem>>
    %dma_wait3A_37 = arith.constant 0 : i32
    %dma_wait3A_38 = tpu.memref_slice %arg5[%dma_wait3A_33, %dma_wait3A_37] : memref<2x80xi32, #tpu.memory_space<vmem>> -> memref<1x80xi32, #tpu.memory_space<vmem>>
    %dma_wait3A_39 = tpu.memref_squeeze %dma_wait3A_38 : memref<1x80xi32, #tpu.memory_space<vmem>> -> memref<80xi32, #tpu.memory_space<vmem>>
    %dma_wait3A_40 = arith.constant 0 : i32
    %dma_wait3A_41 = arith.constant 0 : i32
    %dma_wait3A_42 = tpu.memref_slice %arg4[%dma_wait3A_40, %dma_wait3A_41] : memref<5120x16xf32, #tpu.memory_space<hbm>> -> memref<5120x16xf32, #tpu.memory_space<hbm>>
    tpu.wait_indirect_dma semaphore(%arg7 : memref<!tpu.dma_semaphore, #tpu.memory_space<semaphore_mem>>) src(%dma_wait3A_36 : memref<80x16xf32, #tpu.memory_space<vmem>>) dst(%dma_wait3A_42 : memref<5120x16xf32, #tpu.memory_space<hbm>>)
    return
  }
}

module attributes {stable_mosaic.version = 14 : i64} {
  func.func @_prep_body(%arg0: memref<4x5120xf32, #tpu.memory_space<vmem>>, %arg1: memref<5120x1xf32, #tpu.memory_space<vmem>>, %arg2: memref<1x5120xf32, #tpu.memory_space<vmem>>, %arg3: memref<1x5120xf32, #tpu.memory_space<vmem>>, %arg4: memref<5120x1xi32, #tpu.memory_space<vmem>>, %arg5: memref<5120x16xf32, #tpu.memory_space<vmem>>, %arg6: memref<1x5120xi32, #tpu.memory_space<vmem>>) attributes {dimension_semantics = [], scalar_prefetch = 0 : i64, scratch_operands = 1 : i64, tpu.core_type = #tpu.core_type<tc>} {
    %get3A = arith.constant 0 : index
    %get3A_0 = arith.constant 0 : index
    %get3A_1 = vector.load %arg0[%get3A, %get3A_0] : memref<4x5120xf32, #tpu.memory_space<vmem>>, vector<4x5120xf32>
    %get3A_2 = arith.constant 0 : index
    %get3A_3 = arith.constant 0 : index
    %get3A_4 = vector.load %arg3[%get3A_2, %get3A_3] : memref<1x5120xf32, #tpu.memory_space<vmem>>, vector<1x5120xf32>
    %mul3A = arith.constant 4.000000e+03 : f32
    %mul3A_5 = vector.broadcast %mul3A : f32 to vector<1x5120xf32>
    %mul3A_6 = arith.mulf %get3A_4, %mul3A_5 : vector<1x5120xf32>
    %add3A = vector.broadcast %mul3A_6 : vector<1x5120xf32> to vector<4x5120xf32>
    %add3A_7 = arith.addf %get3A_1, %add3A : vector<4x5120xf32>
    %slice3A = vector.extract_strided_slice %add3A_7 {offsets = [2, 0], sizes = [1, 5120], strides = [1, 1]} : vector<4x5120xf32> to vector<1x5120xf32>
    %slice3A_8 = vector.extract_strided_slice %add3A_7 {offsets = [0, 0], sizes = [1, 5120], strides = [1, 1]} : vector<4x5120xf32> to vector<1x5120xf32>
    %sub3A = arith.subf %slice3A, %slice3A_8 : vector<1x5120xf32>
    %max3A = arith.constant 0.000000e+00 : f32
    %max3A_9 = vector.broadcast %max3A : f32 to vector<1x5120xf32>
    %max3A_10 = arith.maximumf %sub3A, %max3A_9 : vector<1x5120xf32>
    %slice3A_11 = vector.extract_strided_slice %add3A_7 {offsets = [3, 0], sizes = [1, 5120], strides = [1, 1]} : vector<4x5120xf32> to vector<1x5120xf32>
    %slice3A_12 = vector.extract_strided_slice %add3A_7 {offsets = [1, 0], sizes = [1, 5120], strides = [1, 1]} : vector<4x5120xf32> to vector<1x5120xf32>
    %sub3A_13 = arith.subf %slice3A_11, %slice3A_12 : vector<1x5120xf32>
    %max3A_14 = arith.constant 0.000000e+00 : f32
    %max3A_15 = vector.broadcast %max3A_14 : f32 to vector<1x5120xf32>
    %max3A_16 = arith.maximumf %sub3A_13, %max3A_15 : vector<1x5120xf32>
    %mul3A_17 = arith.mulf %max3A_10, %max3A_16 : vector<1x5120xf32>
    %get3A_18 = arith.constant 0 : index
    %get3A_19 = arith.constant 0 : index
    %get3A_20 = vector.load %arg2[%get3A_18, %get3A_19] : memref<1x5120xf32, #tpu.memory_space<vmem>>, vector<1x5120xf32>
    %broadcast_in_dim3A = arith.constant 0.000000e+00 : f32
    %broadcast_in_dim3A_21 = vector.broadcast %broadcast_in_dim3A : f32 to vector<6x5120xf32>
    %concatenate3A = tpu.concatenate %add3A_7, %get3A_20, %get3A_1, %mul3A_17, %broadcast_in_dim3A_21 in 0 : vector<4x5120xf32>, vector<1x5120xf32>, vector<4x5120xf32>, vector<1x5120xf32>, vector<6x5120xf32> -> vector<16x5120xf32>
    %transpose3A = tpu.transpose %concatenate3A, [1, 0] : vector<16x5120xf32> -> vector<5120x16xf32>
    %swap3A = arith.constant 0 : index
    %swap3A_22 = arith.constant 0 : index
    %swap3A_23 = vector.load %arg5[%swap3A, %swap3A_22] : memref<5120x16xf32, #tpu.memory_space<vmem>>, vector<5120x16xf32>
    tpu.vector_store %arg5[%swap3A, %swap3A_22], %transpose3A {strides = array<i32>} : memref<5120x16xf32, #tpu.memory_space<vmem>>, vector<5120x16xf32>,
    %broadcast_in_dim3A_24 = arith.constant 0 : i32
    %broadcast_in_dim3A_25 = vector.broadcast %broadcast_in_dim3A_24 : i32 to vector<1x5120xi32>
    %swap3A_26 = arith.constant 0 : index
    %swap3A_27 = arith.constant 0 : index
    %swap3A_28 = vector.load %arg6[%swap3A_26, %swap3A_27] : memref<1x5120xi32, #tpu.memory_space<vmem>>, vector<1x5120xi32>
    tpu.vector_store %arg6[%swap3A_26, %swap3A_27], %broadcast_in_dim3A_25 {strides = array<i32>} : memref<1x5120xi32, #tpu.memory_space<vmem>>, vector<1x5120xi32>,
    %iota3A = tpu.iota {dimensions = array<i32: 1>} : vector<1x128xi32>
    %iota3A_29 = tpu.iota {dimensions = array<i32: 0>} : vector<128x1xi32>
    %scan3A = arith.constant 0 : i32
    %scan3A_30 = arith.constant 40 : i32
    %scan3A_31 = arith.addi %scan3A, %scan3A_30 : i32
    %scan3A_32 = arith.constant 1 : i32
    scf.for %scan3A_34 = %scan3A to %scan3A_31 step %scan3A_32  : i32 {
      %mul3A_35 = arith.constant 128 : i32
      %mul3A_36 = arith.muli %scan3A_34, %mul3A_35 : i32
      %multiple_of3A = tpu.assume_multiple %mul3A_36, 128 : i32
      %get3A_37 = arith.index_cast %multiple_of3A : i32 to index
      %get3A_38 = arith.constant 0 : index
      %get3A_39 = vector.load %arg1[%get3A_37, %get3A_38] : memref<5120x1xf32, #tpu.memory_space<vmem>>, vector<128x1xf32>
      %add3A_40 = vector.broadcast %multiple_of3A : i32 to vector<128x1xi32>
      %add3A_41 = arith.addi %iota3A_29, %add3A_40 : vector<128x1xi32>
      %get3A_42 = arith.constant 0 : index
      %get3A_43 = arith.index_cast %multiple_of3A : i32 to index
      %get3A_44 = vector.load %arg2[%get3A_42, %get3A_43] : memref<1x5120xf32, #tpu.memory_space<vmem>>, vector<1x128xf32>
      %add3A_45 = vector.broadcast %multiple_of3A : i32 to vector<1x128xi32>
      %add3A_46 = arith.addi %iota3A, %add3A_45 : vector<1x128xi32>
      %gt3A = vector.broadcast %get3A_44 : vector<1x128xf32> to vector<128x128xf32>
      %gt3A_47 = vector.broadcast %get3A_39 : vector<128x1xf32> to vector<128x128xf32>
      %gt3A_48 = arith.cmpf ogt, %gt3A, %gt3A_47 : vector<128x128xf32>
      %eq3A = vector.broadcast %get3A_44 : vector<1x128xf32> to vector<128x128xf32>
      %eq3A_49 = vector.broadcast %get3A_39 : vector<128x1xf32> to vector<128x128xf32>
      %eq3A_50 = arith.cmpf oeq, %eq3A, %eq3A_49 : vector<128x128xf32>
      %lt3A = vector.broadcast %add3A_46 : vector<1x128xi32> to vector<128x128xi32>
      %lt3A_51 = vector.broadcast %add3A_41 : vector<128x1xi32> to vector<128x128xi32>
      %lt3A_52 = arith.cmpi slt, %lt3A, %lt3A_51 : vector<128x128xi32>
      %and3A = arith.andi %eq3A_50, %lt3A_52 : vector<128x128xi1>
      %or3A = arith.ori %gt3A_48, %and3A : vector<128x128xi1>
      %convert_element_type3A = arith.extui %or3A : vector<128x128xi1> to vector<128x128xi32>
      %sub3A_53 = arith.constant 39 : i32
      %sub3A_54 = arith.subi %sub3A_53, %scan3A_34 : i32
      %and3A_55 = arith.constant 1 : i32
      %and3A_56 = arith.andi %sub3A_54, %and3A_55 : i32
      %add3A_57 = arith.constant 128 : i32
      %add3A_58 = arith.addi %multiple_of3A, %add3A_57 : i32
      %eq3A_59 = arith.constant 1 : i32
      %eq3A_60 = arith.cmpi eq, %and3A_56, %eq3A_59 : i32
      %convert_element_type3A_61 = arith.extui %eq3A_60 : i1 to i32
      %cond3A = arith.constant 0 : i32
      %cond3A_62 = arith.cmpi ne, %convert_element_type3A_61, %cond3A : i32
      %cond3A_63 = scf.if %cond3A_62 -> (vector<128x128xi32>) {
        %multiple_of3A_88 = tpu.assume_multiple %add3A_58, 128 : i32
        %get3A_89 = arith.constant 0 : index
        %get3A_90 = arith.index_cast %multiple_of3A_88 : i32 to index
        %get3A_91 = vector.load %arg2[%get3A_89, %get3A_90] : memref<1x5120xf32, #tpu.memory_space<vmem>>, vector<1x128xf32>
        %add3A_92 = vector.broadcast %multiple_of3A_88 : i32 to vector<1x128xi32>
        %add3A_93 = arith.addi %iota3A, %add3A_92 : vector<1x128xi32>
        %gt3A_94 = vector.broadcast %get3A_91 : vector<1x128xf32> to vector<128x128xf32>
        %gt3A_95 = vector.broadcast %get3A_39 : vector<128x1xf32> to vector<128x128xf32>
        %gt3A_96 = arith.cmpf ogt, %gt3A_94, %gt3A_95 : vector<128x128xf32>
        %eq3A_97 = vector.broadcast %get3A_91 : vector<1x128xf32> to vector<128x128xf32>
        %eq3A_98 = vector.broadcast %get3A_39 : vector<128x1xf32> to vector<128x128xf32>
        %eq3A_99 = arith.cmpf oeq, %eq3A_97, %eq3A_98 : vector<128x128xf32>
        %lt3A_100 = vector.broadcast %add3A_93 : vector<1x128xi32> to vector<128x128xi32>
        %lt3A_101 = vector.broadcast %add3A_41 : vector<128x1xi32> to vector<128x128xi32>
        %lt3A_102 = arith.cmpi slt, %lt3A_100, %lt3A_101 : vector<128x128xi32>
        %and3A_103 = arith.andi %eq3A_99, %lt3A_102 : vector<128x128xi1>
        %or3A_104 = arith.ori %gt3A_96, %and3A_103 : vector<128x128xi1>
        %convert_element_type3A_105 = arith.extui %or3A_104 : vector<128x128xi1> to vector<128x128xi32>
        %reduce_sum3A_106 = arith.constant dense<0> : vector<128xi32>
        %reduce_sum3A_107 = vector.multi_reduction <add>, %convert_element_type3A_105, %reduce_sum3A_106 [0] : vector<128x128xi32> to vector<128xi32>
        %broadcast_in_dim3A_108 = vector.shape_cast %reduce_sum3A_107 : vector<128xi32> to vector<1x128xi32>
        %get3A_109 = arith.constant 0 : index
        %get3A_110 = arith.index_cast %multiple_of3A_88 : i32 to index
        %get3A_111 = vector.load %arg6[%get3A_109, %get3A_110] : memref<1x5120xi32, #tpu.memory_space<vmem>>, vector<1x128xi32>
        %sub3A_112 = arith.constant 128 : i32
        %sub3A_113 = vector.broadcast %sub3A_112 : i32 to vector<1x128xi32>
        %sub3A_114 = arith.subi %sub3A_113, %broadcast_in_dim3A_108 : vector<1x128xi32>
        %add3A_115 = arith.addi %get3A_111, %sub3A_114 : vector<1x128xi32>
        %swap3A_116 = arith.constant 0 : index
        %swap3A_117 = arith.index_cast %multiple_of3A_88 : i32 to index
        %swap3A_118 = vector.load %arg6[%swap3A_116, %swap3A_117] : memref<1x5120xi32, #tpu.memory_space<vmem>>, vector<1x128xi32>
        tpu.vector_store %arg6[%swap3A_116, %swap3A_117], %add3A_115 {strides = array<i32>} : memref<1x5120xi32, #tpu.memory_space<vmem>>, vector<1x128xi32>,
        %add3A_119 = arith.addi %convert_element_type3A, %convert_element_type3A_105 : vector<128x128xi32>
        scf.yield %add3A_119 : vector<128x128xi32>
      } else {
        scf.yield %convert_element_type3A : vector<128x128xi32>
      }
      %mul3A_64 = arith.constant 128 : i32
      %mul3A_65 = arith.muli %and3A_56, %mul3A_64 : i32
      %add3A_66 = arith.addi %add3A_58, %mul3A_65 : i32
      %shift_right_arithmetic3A = arith.constant 1 : i32
      %shift_right_arithmetic3A_67 = arith.shrsi %sub3A_54, %shift_right_arithmetic3A : i32
      %while3A = arith.constant 0 : i32
      %while3A_68 = arith.subi %shift_right_arithmetic3A_67, %while3A : i32
      %while3A_69 = arith.addi %while3A, %while3A_68 : i32
      %while3A_70 = arith.constant 1 : i32
      %while3A_71 = arith.divsi %while3A_68, %while3A_70 : i32
      %while3A_72 = arith.muli %while3A_71, %while3A_70 : i32
      %while3A_73 = arith.addi %while3A, %while3A_72 : i32
      %while3A_74 = arith.constant 1 : i32
      %while3A_75 = scf.for %while3A_88 = %while3A to %while3A_73 step %while3A_74 iter_args(%while3A_89 = %cond3A_63) -> (vector<128x128xi32>)  : i32 {
        %mul3A_90 = arith.constant 2 : i32
        %mul3A_91 = arith.muli %mul3A_90, %while3A_88 : i32
        %mul3A_92 = arith.constant 128 : i32
        %mul3A_93 = arith.muli %mul3A_91, %mul3A_92 : i32
        %add3A_94 = arith.addi %add3A_66, %mul3A_93 : i32
        %multiple_of3A_95 = tpu.assume_multiple %add3A_94, 128 : i32
        %get3A_96 = arith.constant 0 : index
        %get3A_97 = arith.index_cast %multiple_of3A_95 : i32 to index
        %get3A_98 = vector.load %arg2[%get3A_96, %get3A_97] : memref<1x5120xf32, #tpu.memory_space<vmem>>, vector<1x128xf32>
        %add3A_99 = vector.broadcast %multiple_of3A_95 : i32 to vector<1x128xi32>
        %add3A_100 = arith.addi %iota3A, %add3A_99 : vector<1x128xi32>
        %gt3A_101 = vector.broadcast %get3A_98 : vector<1x128xf32> to vector<128x128xf32>
        %gt3A_102 = vector.broadcast %get3A_39 : vector<128x1xf32> to vector<128x128xf32>
        %gt3A_103 = arith.cmpf ogt, %gt3A_101, %gt3A_102 : vector<128x128xf32>
        %eq3A_104 = vector.broadcast %get3A_98 : vector<1x128xf32> to vector<128x128xf32>
        %eq3A_105 = vector.broadcast %get3A_39 : vector<128x1xf32> to vector<128x128xf32>
        %eq3A_106 = arith.cmpf oeq, %eq3A_104, %eq3A_105 : vector<128x128xf32>
        %lt3A_107 = vector.broadcast %add3A_100 : vector<1x128xi32> to vector<128x128xi32>
        %lt3A_108 = vector.broadcast %add3A_41 : vector<128x1xi32> to vector<128x128xi32>
        %lt3A_109 = arith.cmpi slt, %lt3A_107, %lt3A_108 : vector<128x128xi32>
        %and3A_110 = arith.andi %eq3A_106, %lt3A_109 : vector<128x128xi1>
        %or3A_111 = arith.ori %gt3A_103, %and3A_110 : vector<128x128xi1>
        %convert_element_type3A_112 = arith.extui %or3A_111 : vector<128x128xi1> to vector<128x128xi32>
        %reduce_sum3A_113 = arith.constant dense<0> : vector<128xi32>
        %reduce_sum3A_114 = vector.multi_reduction <add>, %convert_element_type3A_112, %reduce_sum3A_113 [0] : vector<128x128xi32> to vector<128xi32>
        %broadcast_in_dim3A_115 = vector.shape_cast %reduce_sum3A_114 : vector<128xi32> to vector<1x128xi32>
        %get3A_116 = arith.constant 0 : index
        %get3A_117 = arith.index_cast %multiple_of3A_95 : i32 to index
        %get3A_118 = vector.load %arg6[%get3A_116, %get3A_117] : memref<1x5120xi32, #tpu.memory_space<vmem>>, vector<1x128xi32>
        %sub3A_119 = arith.constant 128 : i32
        %sub3A_120 = vector.broadcast %sub3A_119 : i32 to vector<1x128xi32>
        %sub3A_121 = arith.subi %sub3A_120, %broadcast_in_dim3A_115 : vector<1x128xi32>
        %add3A_122 = arith.addi %get3A_118, %sub3A_121 : vector<1x128xi32>
        %swap3A_123 = arith.constant 0 : index
        %swap3A_124 = arith.index_cast %multiple_of3A_95 : i32 to index
        %swap3A_125 = vector.load %arg6[%swap3A_123, %swap3A_124] : memref<1x5120xi32, #tpu.memory_space<vmem>>, vector<1x128xi32>
        tpu.vector_store %arg6[%swap3A_123, %swap3A_124], %add3A_122 {strides = array<i32>} : memref<1x5120xi32, #tpu.memory_space<vmem>>, vector<1x128xi32>,
        %add3A_126 = arith.addi %while3A_89, %convert_element_type3A_112 : vector<128x128xi32>
        %add3A_127 = arith.constant 128 : i32
        %add3A_128 = arith.addi %multiple_of3A_95, %add3A_127 : i32
        %multiple_of3A_129 = tpu.assume_multiple %add3A_128, 128 : i32
        %get3A_130 = arith.constant 0 : index
        %get3A_131 = arith.index_cast %multiple_of3A_129 : i32 to index
        %get3A_132 = vector.load %arg2[%get3A_130, %get3A_131] : memref<1x5120xf32, #tpu.memory_space<vmem>>, vector<1x128xf32>
        %add3A_133 = vector.broadcast %multiple_of3A_129 : i32 to vector<1x128xi32>
        %add3A_134 = arith.addi %iota3A, %add3A_133 : vector<1x128xi32>
        %gt3A_135 = vector.broadcast %get3A_132 : vector<1x128xf32> to vector<128x128xf32>
        %gt3A_136 = vector.broadcast %get3A_39 : vector<128x1xf32> to vector<128x128xf32>
        %gt3A_137 = arith.cmpf ogt, %gt3A_135, %gt3A_136 : vector<128x128xf32>
        %eq3A_138 = vector.broadcast %get3A_132 : vector<1x128xf32> to vector<128x128xf32>
        %eq3A_139 = vector.broadcast %get3A_39 : vector<128x1xf32> to vector<128x128xf32>
        %eq3A_140 = arith.cmpf oeq, %eq3A_138, %eq3A_139 : vector<128x128xf32>
        %lt3A_141 = vector.broadcast %add3A_134 : vector<1x128xi32> to vector<128x128xi32>
        %lt3A_142 = vector.broadcast %add3A_41 : vector<128x1xi32> to vector<128x128xi32>
        %lt3A_143 = arith.cmpi slt, %lt3A_141, %lt3A_142 : vector<128x128xi32>
        %and3A_144 = arith.andi %eq3A_140, %lt3A_143 : vector<128x128xi1>
        %or3A_145 = arith.ori %gt3A_137, %and3A_144 : vector<128x128xi1>
        %convert_element_type3A_146 = arith.extui %or3A_145 : vector<128x128xi1> to vector<128x128xi32>
        %reduce_sum3A_147 = arith.constant dense<0> : vector<128xi32>
        %reduce_sum3A_148 = vector.multi_reduction <add>, %convert_element_type3A_146, %reduce_sum3A_147 [0] : vector<128x128xi32> to vector<128xi32>
        %broadcast_in_dim3A_149 = vector.shape_cast %reduce_sum3A_148 : vector<128xi32> to vector<1x128xi32>
        %get3A_150 = arith.constant 0 : index
        %get3A_151 = arith.index_cast %multiple_of3A_129 : i32 to index
        %get3A_152 = vector.load %arg6[%get3A_150, %get3A_151] : memref<1x5120xi32, #tpu.memory_space<vmem>>, vector<1x128xi32>
        %sub3A_153 = arith.constant 128 : i32
        %sub3A_154 = vector.broadcast %sub3A_153 : i32 to vector<1x128xi32>
        %sub3A_155 = arith.subi %sub3A_154, %broadcast_in_dim3A_149 : vector<1x128xi32>
        %add3A_156 = arith.addi %get3A_152, %sub3A_155 : vector<1x128xi32>
        %swap3A_157 = arith.constant 0 : index
        %swap3A_158 = arith.index_cast %multiple_of3A_129 : i32 to index
        %swap3A_159 = vector.load %arg6[%swap3A_157, %swap3A_158] : memref<1x5120xi32, #tpu.memory_space<vmem>>, vector<1x128xi32>
        tpu.vector_store %arg6[%swap3A_157, %swap3A_158], %add3A_156 {strides = array<i32>} : memref<1x5120xi32, #tpu.memory_space<vmem>>, vector<1x128xi32>,
        %add3A_160 = arith.addi %add3A_126, %convert_element_type3A_146 : vector<128x128xi32>
        scf.yield %add3A_160 : vector<128x128xi32>
      }
      %while3A_76 = arith.constant 1 : i32
      %while3A_77 = scf.for %while3A_88 = %while3A_73 to %while3A_69 step %while3A_76 iter_args(%while3A_89 = %while3A_75) -> (vector<128x128xi32>)  : i32 {
        %mul3A_90 = arith.constant 2 : i32
        %mul3A_91 = arith.muli %mul3A_90, %while3A_88 : i32
        %mul3A_92 = arith.constant 128 : i32
        %mul3A_93 = arith.muli %mul3A_91, %mul3A_92 : i32
        %add3A_94 = arith.addi %add3A_66, %mul3A_93 : i32
        %multiple_of3A_95 = tpu.assume_multiple %add3A_94, 128 : i32
        %get3A_96 = arith.constant 0 : index
        %get3A_97 = arith.index_cast %multiple_of3A_95 : i32 to index
        %get3A_98 = vector.load %arg2[%get3A_96, %get3A_97] : memref<1x5120xf32, #tpu.memory_space<vmem>>, vector<1x128xf32>
        %add3A_99 = vector.broadcast %multiple_of3A_95 : i32 to vector<1x128xi32>
        %add3A_100 = arith.addi %iota3A, %add3A_99 : vector<1x128xi32>
        %gt3A_101 = vector.broadcast %get3A_98 : vector<1x128xf32> to vector<128x128xf32>
        %gt3A_102 = vector.broadcast %get3A_39 : vector<128x1xf32> to vector<128x128xf32>
        %gt3A_103 = arith.cmpf ogt, %gt3A_101, %gt3A_102 : vector<128x128xf32>
        %eq3A_104 = vector.broadcast %get3A_98 : vector<1x128xf32> to vector<128x128xf32>
        %eq3A_105 = vector.broadcast %get3A_39 : vector<128x1xf32> to vector<128x128xf32>
        %eq3A_106 = arith.cmpf oeq, %eq3A_104, %eq3A_105 : vector<128x128xf32>
        %lt3A_107 = vector.broadcast %add3A_100 : vector<1x128xi32> to vector<128x128xi32>
        %lt3A_108 = vector.broadcast %add3A_41 : vector<128x1xi32> to vector<128x128xi32>
        %lt3A_109 = arith.cmpi slt, %lt3A_107, %lt3A_108 : vector<128x128xi32>
        %and3A_110 = arith.andi %eq3A_106, %lt3A_109 : vector<128x128xi1>
        %or3A_111 = arith.ori %gt3A_103, %and3A_110 : vector<128x128xi1>
        %convert_element_type3A_112 = arith.extui %or3A_111 : vector<128x128xi1> to vector<128x128xi32>
        %reduce_sum3A_113 = arith.constant dense<0> : vector<128xi32>
        %reduce_sum3A_114 = vector.multi_reduction <add>, %convert_element_type3A_112, %reduce_sum3A_113 [0] : vector<128x128xi32> to vector<128xi32>
        %broadcast_in_dim3A_115 = vector.shape_cast %reduce_sum3A_114 : vector<128xi32> to vector<1x128xi32>
        %get3A_116 = arith.constant 0 : index
        %get3A_117 = arith.index_cast %multiple_of3A_95 : i32 to index
        %get3A_118 = vector.load %arg6[%get3A_116, %get3A_117] : memref<1x5120xi32, #tpu.memory_space<vmem>>, vector<1x128xi32>
        %sub3A_119 = arith.constant 128 : i32
        %sub3A_120 = vector.broadcast %sub3A_119 : i32 to vector<1x128xi32>
        %sub3A_121 = arith.subi %sub3A_120, %broadcast_in_dim3A_115 : vector<1x128xi32>
        %add3A_122 = arith.addi %get3A_118, %sub3A_121 : vector<1x128xi32>
        %swap3A_123 = arith.constant 0 : index
        %swap3A_124 = arith.index_cast %multiple_of3A_95 : i32 to index
        %swap3A_125 = vector.load %arg6[%swap3A_123, %swap3A_124] : memref<1x5120xi32, #tpu.memory_space<vmem>>, vector<1x128xi32>
        tpu.vector_store %arg6[%swap3A_123, %swap3A_124], %add3A_122 {strides = array<i32>} : memref<1x5120xi32, #tpu.memory_space<vmem>>, vector<1x128xi32>,
        %add3A_126 = arith.addi %while3A_89, %convert_element_type3A_112 : vector<128x128xi32>
        %add3A_127 = arith.constant 128 : i32
        %add3A_128 = arith.addi %multiple_of3A_95, %add3A_127 : i32
        %multiple_of3A_129 = tpu.assume_multiple %add3A_128, 128 : i32
        %get3A_130 = arith.constant 0 : index
        %get3A_131 = arith.index_cast %multiple_of3A_129 : i32 to index
        %get3A_132 = vector.load %arg2[%get3A_130, %get3A_131] : memref<1x5120xf32, #tpu.memory_space<vmem>>, vector<1x128xf32>
        %add3A_133 = vector.broadcast %multiple_of3A_129 : i32 to vector<1x128xi32>
        %add3A_134 = arith.addi %iota3A, %add3A_133 : vector<1x128xi32>
        %gt3A_135 = vector.broadcast %get3A_132 : vector<1x128xf32> to vector<128x128xf32>
        %gt3A_136 = vector.broadcast %get3A_39 : vector<128x1xf32> to vector<128x128xf32>
        %gt3A_137 = arith.cmpf ogt, %gt3A_135, %gt3A_136 : vector<128x128xf32>
        %eq3A_138 = vector.broadcast %get3A_132 : vector<1x128xf32> to vector<128x128xf32>
        %eq3A_139 = vector.broadcast %get3A_39 : vector<128x1xf32> to vector<128x128xf32>
        %eq3A_140 = arith.cmpf oeq, %eq3A_138, %eq3A_139 : vector<128x128xf32>
        %lt3A_141 = vector.broadcast %add3A_134 : vector<1x128xi32> to vector<128x128xi32>
        %lt3A_142 = vector.broadcast %add3A_41 : vector<128x1xi32> to vector<128x128xi32>
        %lt3A_143 = arith.cmpi slt, %lt3A_141, %lt3A_142 : vector<128x128xi32>
        %and3A_144 = arith.andi %eq3A_140, %lt3A_143 : vector<128x128xi1>
        %or3A_145 = arith.ori %gt3A_137, %and3A_144 : vector<128x128xi1>
        %convert_element_type3A_146 = arith.extui %or3A_145 : vector<128x128xi1> to vector<128x128xi32>
        %reduce_sum3A_147 = arith.constant dense<0> : vector<128xi32>
        %reduce_sum3A_148 = vector.multi_reduction <add>, %convert_element_type3A_146, %reduce_sum3A_147 [0] : vector<128x128xi32> to vector<128xi32>
        %broadcast_in_dim3A_149 = vector.shape_cast %reduce_sum3A_148 : vector<128xi32> to vector<1x128xi32>
        %get3A_150 = arith.constant 0 : index
        %get3A_151 = arith.index_cast %multiple_of3A_129 : i32 to index
        %get3A_152 = vector.load %arg6[%get3A_150, %get3A_151] : memref<1x5120xi32, #tpu.memory_space<vmem>>, vector<1x128xi32>
        %sub3A_153 = arith.constant 128 : i32
        %sub3A_154 = vector.broadcast %sub3A_153 : i32 to vector<1x128xi32>
        %sub3A_155 = arith.subi %sub3A_154, %broadcast_in_dim3A_149 : vector<1x128xi32>
        %add3A_156 = arith.addi %get3A_152, %sub3A_155 : vector<1x128xi32>
        %swap3A_157 = arith.constant 0 : index
        %swap3A_158 = arith.index_cast %multiple_of3A_129 : i32 to index
        %swap3A_159 = vector.load %arg6[%swap3A_157, %swap3A_158] : memref<1x5120xi32, #tpu.memory_space<vmem>>, vector<1x128xi32>
        tpu.vector_store %arg6[%swap3A_157, %swap3A_158], %add3A_156 {strides = array<i32>} : memref<1x5120xi32, #tpu.memory_space<vmem>>, vector<1x128xi32>,
        %add3A_160 = arith.addi %add3A_126, %convert_element_type3A_146 : vector<128x128xi32>
        scf.yield %add3A_160 : vector<128x128xi32>
      }
      %reduce_sum3A = arith.constant dense<0> : vector<128xi32>
      %reduce_sum3A_78 = vector.multi_reduction <add>, %while3A_77, %reduce_sum3A [1] : vector<128x128xi32> to vector<128xi32>
      %broadcast_in_dim3A_79 = vector.shape_cast %reduce_sum3A_78 : vector<128xi32> to vector<128x1xi32>
      %get3A_80 = arith.constant 0 : index
      %get3A_81 = arith.index_cast %multiple_of3A : i32 to index
      %get3A_82 = vector.load %arg6[%get3A_80, %get3A_81] : memref<1x5120xi32, #tpu.memory_space<vmem>>, vector<1x128xi32>
      %transpose3A_83 = tpu.transpose %get3A_82, [1, 0] : vector<1x128xi32> -> vector<128x1xi32>
      %add3A_84 = arith.addi %broadcast_in_dim3A_79, %transpose3A_83 : vector<128x1xi32>
      %swap3A_85 = arith.index_cast %multiple_of3A : i32 to index
      %swap3A_86 = arith.constant 0 : index
      %swap3A_87 = vector.load %arg4[%swap3A_85, %swap3A_86] : memref<5120x1xi32, #tpu.memory_space<vmem>>, vector<128x1xi32>
      tpu.vector_store %arg4[%swap3A_85, %swap3A_86], %add3A_84 {strides = array<i32>} : memref<5120x1xi32, #tpu.memory_space<vmem>>, vector<128x1xi32>,
    }
    %scan3A_33 = arith.constant 40 : i32
    return
  }
}

module attributes {stable_mosaic.version = 14 : i64} {
  func.func @_nms_body(%arg0: memref<5120x16xf32, #tpu.memory_space<vmem>>, %arg1: memref<5120x8xf32, #tpu.memory_space<vmem>>, %arg2: memref<128x128xf32, #tpu.memory_space<vmem>>, %arg3: memref<1x5120xf32, #tpu.memory_space<vmem>>, %arg4: memref<16x5120xf32, #tpu.memory_space<vmem>>) attributes {dimension_semantics = [], scalar_prefetch = 0 : i64, scratch_operands = 3 : i64, tpu.core_type = #tpu.core_type<tc>} {
    %get3A = arith.constant 0 : index
    %get3A_0 = arith.constant 0 : index
    %get3A_1 = vector.load %arg0[%get3A, %get3A_0] : memref<5120x16xf32, #tpu.memory_space<vmem>>, vector<5120x16xf32>
    %transpose3A = tpu.transpose %get3A_1, [1, 0] : vector<5120x16xf32> -> vector<16x5120xf32>
    %swap3A = arith.constant 0 : index
    %swap3A_2 = arith.constant 0 : index
    %swap3A_3 = vector.load %arg4[%swap3A, %swap3A_2] : memref<16x5120xf32, #tpu.memory_space<vmem>>, vector<16x5120xf32>
    tpu.vector_store %arg4[%swap3A, %swap3A_2], %transpose3A {strides = array<i32>} : memref<16x5120xf32, #tpu.memory_space<vmem>>, vector<16x5120xf32>,
    %broadcast_in_dim3A = arith.constant 0.000000e+00 : f32
    %broadcast_in_dim3A_4 = vector.broadcast %broadcast_in_dim3A : f32 to vector<1x5120xf32>
    %swap3A_5 = arith.constant 0 : index
    %swap3A_6 = arith.constant 0 : index
    %swap3A_7 = vector.load %arg3[%swap3A_5, %swap3A_6] : memref<1x5120xf32, #tpu.memory_space<vmem>>, vector<1x5120xf32>
    tpu.vector_store %arg3[%swap3A_5, %swap3A_6], %broadcast_in_dim3A_4 {strides = array<i32>} : memref<1x5120xf32, #tpu.memory_space<vmem>>, vector<1x5120xf32>,
    %iota3A = tpu.iota {dimensions = array<i32: 0>} : vector<128x128xi32>
    %iota3A_8 = tpu.iota {dimensions = array<i32: 1>} : vector<128x128xi32>
    %lt3A = arith.cmpi slt, %iota3A, %iota3A_8 : vector<128x128xi32>
    %convert_element_type3A = arith.extui %lt3A : vector<128x128xi1> to vector<128x128xi32>
    %convert_element_type3A_9 = arith.sitofp %convert_element_type3A : vector<128x128xi32> to vector<128x128xf32>
    %scan3A = arith.constant 0 : i32
    %scan3A_10 = arith.constant 40 : i32
    %scan3A_11 = arith.addi %scan3A, %scan3A_10 : i32
    %scan3A_12 = arith.constant 1 : i32
    scf.for %scan3A_33 = %scan3A to %scan3A_11 step %scan3A_12  : i32 {
      %mul3A_34 = arith.constant 128 : i32
      %mul3A_35 = arith.muli %scan3A_33, %mul3A_34 : i32
      %multiple_of3A = tpu.assume_multiple %mul3A_35, 128 : i32
      %get3A_36 = arith.index_cast %multiple_of3A : i32 to index
      %get3A_37 = arith.constant 0 : index
      %get3A_38 = vector.load %arg0[%get3A_36, %get3A_37] : memref<5120x16xf32, #tpu.memory_space<vmem>>, vector<128x1xf32>
      %get3A_39 = arith.index_cast %multiple_of3A : i32 to index
      %get3A_40 = arith.constant 1 : index
      %get3A_41 = vector.load %arg0[%get3A_39, %get3A_40] : memref<5120x16xf32, #tpu.memory_space<vmem>>, vector<128x1xf32>
      %get3A_42 = arith.index_cast %multiple_of3A : i32 to index
      %get3A_43 = arith.constant 2 : index
      %get3A_44 = vector.load %arg0[%get3A_42, %get3A_43] : memref<5120x16xf32, #tpu.memory_space<vmem>>, vector<128x1xf32>
      %get3A_45 = arith.index_cast %multiple_of3A : i32 to index
      %get3A_46 = arith.constant 3 : index
      %get3A_47 = vector.load %arg0[%get3A_45, %get3A_46] : memref<5120x16xf32, #tpu.memory_space<vmem>>, vector<128x1xf32>
      %get3A_48 = arith.index_cast %multiple_of3A : i32 to index
      %get3A_49 = arith.constant 9 : index
      %get3A_50 = vector.load %arg0[%get3A_48, %get3A_49] : memref<5120x16xf32, #tpu.memory_space<vmem>>, vector<128x1xf32>
      %get3A_51 = arith.constant 0 : index
      %get3A_52 = arith.index_cast %multiple_of3A : i32 to index
      %get3A_53 = vector.load %arg4[%get3A_51, %get3A_52] : memref<16x5120xf32, #tpu.memory_space<vmem>>, vector<1x128xf32>
      %get3A_54 = arith.constant 1 : index
      %get3A_55 = arith.index_cast %multiple_of3A : i32 to index
      %get3A_56 = vector.load %arg4[%get3A_54, %get3A_55] : memref<16x5120xf32, #tpu.memory_space<vmem>>, vector<1x128xf32>
      %get3A_57 = arith.constant 2 : index
      %get3A_58 = arith.index_cast %multiple_of3A : i32 to index
      %get3A_59 = vector.load %arg4[%get3A_57, %get3A_58] : memref<16x5120xf32, #tpu.memory_space<vmem>>, vector<1x128xf32>
      %get3A_60 = arith.constant 3 : index
      %get3A_61 = arith.index_cast %multiple_of3A : i32 to index
      %get3A_62 = vector.load %arg4[%get3A_60, %get3A_61] : memref<16x5120xf32, #tpu.memory_space<vmem>>, vector<1x128xf32>
      %get3A_63 = arith.constant 9 : index
      %get3A_64 = arith.index_cast %multiple_of3A : i32 to index
      %get3A_65 = vector.load %arg4[%get3A_63, %get3A_64] : memref<16x5120xf32, #tpu.memory_space<vmem>>, vector<1x128xf32>
      %max3A = vector.broadcast %get3A_38 : vector<128x1xf32> to vector<128x128xf32>
      %max3A_66 = vector.broadcast %get3A_53 : vector<1x128xf32> to vector<128x128xf32>
      %max3A_67 = arith.maximumf %max3A, %max3A_66 : vector<128x128xf32>
      %max3A_68 = vector.broadcast %get3A_41 : vector<128x1xf32> to vector<128x128xf32>
      %max3A_69 = vector.broadcast %get3A_56 : vector<1x128xf32> to vector<128x128xf32>
      %max3A_70 = arith.maximumf %max3A_68, %max3A_69 : vector<128x128xf32>
      %min3A = vector.broadcast %get3A_44 : vector<128x1xf32> to vector<128x128xf32>
      %min3A_71 = vector.broadcast %get3A_59 : vector<1x128xf32> to vector<128x128xf32>
      %min3A_72 = arith.minimumf %min3A, %min3A_71 : vector<128x128xf32>
      %min3A_73 = vector.broadcast %get3A_47 : vector<128x1xf32> to vector<128x128xf32>
      %min3A_74 = vector.broadcast %get3A_62 : vector<1x128xf32> to vector<128x128xf32>
      %min3A_75 = arith.minimumf %min3A_73, %min3A_74 : vector<128x128xf32>
      %sub3A_76 = arith.subf %min3A_72, %max3A_67 : vector<128x128xf32>
      %max3A_77 = arith.constant 0.000000e+00 : f32
      %max3A_78 = vector.broadcast %max3A_77 : f32 to vector<128x128xf32>
      %max3A_79 = arith.maximumf %sub3A_76, %max3A_78 : vector<128x128xf32>
      %sub3A_80 = arith.subf %min3A_75, %max3A_70 : vector<128x128xf32>
      %max3A_81 = arith.constant 0.000000e+00 : f32
      %max3A_82 = vector.broadcast %max3A_81 : f32 to vector<128x128xf32>
      %max3A_83 = arith.maximumf %sub3A_80, %max3A_82 : vector<128x128xf32>
      %mul3A_84 = arith.mulf %max3A_79, %max3A_83 : vector<128x128xf32>
      %add3A = vector.broadcast %get3A_50 : vector<128x1xf32> to vector<128x128xf32>
      %add3A_85 = vector.broadcast %get3A_65 : vector<1x128xf32> to vector<128x128xf32>
      %add3A_86 = arith.addf %add3A, %add3A_85 : vector<128x128xf32>
      %sub3A_87 = arith.subf %add3A_86, %mul3A_84 : vector<128x128xf32>
      %max3A_88 = arith.constant 9.99999971E-10 : f32
      %max3A_89 = vector.broadcast %max3A_88 : f32 to vector<128x128xf32>
      %max3A_90 = arith.maximumf %sub3A_87, %max3A_89 : vector<128x128xf32>
      %div3A = arith.divf %mul3A_84, %max3A_90 : vector<128x128xf32>
      %gt3A = arith.constant 7.500000e-01 : f32
      %gt3A_91 = vector.broadcast %gt3A : f32 to vector<128x128xf32>
      %gt3A_92 = arith.cmpf ogt, %div3A, %gt3A_91 : vector<128x128xf32>
      %convert_element_type3A_93 = arith.extui %gt3A_92 : vector<128x128xi1> to vector<128x128xi32>
      %convert_element_type3A_94 = arith.sitofp %convert_element_type3A_93 : vector<128x128xi32> to vector<128x128xf32>
      %mul3A_95 = arith.mulf %convert_element_type3A_94, %convert_element_type3A_9 : vector<128x128xf32>
      %swap3A_96 = arith.constant 0 : index
      %swap3A_97 = arith.constant 0 : index
      %swap3A_98 = vector.load %arg2[%swap3A_96, %swap3A_97] : memref<128x128xf32, #tpu.memory_space<vmem>>, vector<128x128xf32>
      tpu.vector_store %arg2[%swap3A_96, %swap3A_97], %mul3A_95 {strides = array<i32>} : memref<128x128xf32, #tpu.memory_space<vmem>>, vector<128x128xf32>,
      %reduce_sum3A = vector.shape_cast %mul3A_95 : vector<128x128xf32> to vector<1x128x128xf32>
      %reduce_sum3A_99 = arith.constant dense<0.000000e+00> : vector<1xf32>
      %reduce_sum3A_100 = vector.multi_reduction <add>, %reduce_sum3A, %reduce_sum3A_99 [1, 2] : vector<1x128x128xf32> to vector<1xf32>
      %reduce_sum3A_101 = vector.shape_cast %reduce_sum3A_100 : vector<1xf32> to vector<1x1x1xf32>
      %reduce_sum3A_102 = vector.extract %reduce_sum3A_101[0, 0, 0] : f32 from vector<1x1x1xf32>
      %get3A_103 = arith.constant 0 : index
      %get3A_104 = arith.index_cast %multiple_of3A : i32 to index
      %get3A_105 = vector.load %arg3[%get3A_103, %get3A_104] : memref<1x5120xf32, #tpu.memory_space<vmem>>, vector<1x128xf32>
      %gt3A_106 = arith.constant 0.000000e+00 : f32
      %gt3A_107 = arith.cmpf ogt, %reduce_sum3A_102, %gt3A_106 : f32
      %convert_element_type3A_108 = arith.extui %gt3A_107 : i1 to i32
      %cond3A = arith.constant 0 : i32
      %cond3A_109 = arith.cmpi ne, %convert_element_type3A_108, %cond3A : i32
      %cond3A_110 = scf.if %cond3A_109 -> (vector<1x128xf32>) {
        %while3A_141 = arith.constant true
        %while3A_142:2 = scf.while (%while3A_143 = %get3A_105, %while3A_144 = %while3A_141) : (vector<1x128xf32>, i1) -> (vector<1x128xf32>, i1) {
          scf.condition(%while3A_144) %while3A_143, %while3A_144 : vector<1x128xf32>, i1
        } do {
        ^bb0(%while3A_143: vector<1x128xf32>, %while3A_144: i1):
          %sub3A_145 = arith.constant 1.000000e+00 : f32
          %sub3A_146 = vector.broadcast %sub3A_145 : f32 to vector<1x128xf32>
          %sub3A_147 = arith.subf %sub3A_146, %while3A_143 : vector<1x128xf32>
          %get3A_148 = arith.constant 0 : index
          %get3A_149 = arith.constant 0 : index
          %get3A_150 = vector.load %arg2[%get3A_148, %get3A_149] : memref<128x128xf32, #tpu.memory_space<vmem>>, vector<128x128xf32>
          %dot_general3A = arith.constant dense<0.000000e+00> : vector<1x128xf32>
          %dot_general3A_151 = tpu.matmul %sub3A_147, %get3A_150, %dot_general3A {dimension_numbers = #tpu.dot_dimension_numbers<[1], [0], [0], [1], [0, 0, 1, 1], [], []>, transpose_lhs_hint = false} : vector<1x128xf32>, vector<128x128xf32>, vector<1x128xf32> -> vector<1x128xf32>
          %gt3A_152 = arith.constant 5.000000e-01 : f32
          %gt3A_153 = vector.broadcast %gt3A_152 : f32 to vector<1x128xf32>
          %gt3A_154 = arith.cmpf ogt, %dot_general3A_151, %gt3A_153 : vector<1x128xf32>
          %convert_element_type3A_155 = arith.extui %gt3A_154 : vector<1x128xi1> to vector<1x128xi32>
          %convert_element_type3A_156 = arith.sitofp %convert_element_type3A_155 : vector<1x128xi32> to vector<1x128xf32>
          %max3A_157 = arith.maximumf %get3A_105, %convert_element_type3A_156 : vector<1x128xf32>
          %ne3A = arith.cmpf one, %max3A_157, %while3A_143 : vector<1x128xf32>
          %reduce_or3A = arith.constant 1.000000e+00 : f32
          %reduce_or3A_158 = arith.constant 0.000000e+00 : f32
          %reduce_or3A_159 = vector.broadcast %reduce_or3A : f32 to vector<1x128xf32>
          %reduce_or3A_160 = vector.broadcast %reduce_or3A_158 : f32 to vector<1x128xf32>
          %reduce_or3A_161 = arith.select %ne3A, %reduce_or3A_159, %reduce_or3A_160 : vector<1x128xi1>, vector<1x128xf32>
          %reduce_or3A_162 = vector.shape_cast %reduce_or3A_161 : vector<1x128xf32> to vector<1x1x128xf32>
          %reduce_or3A_163 = arith.constant dense<0xFF800000> : vector<1xf32>
          %reduce_or3A_164 = vector.multi_reduction <maximumf>, %reduce_or3A_162, %reduce_or3A_163 [1, 2] : vector<1x1x128xf32> to vector<1xf32>
          %reduce_or3A_165 = vector.shape_cast %reduce_or3A_164 : vector<1xf32> to vector<1x1x1xf32>
          %reduce_or3A_166 = vector.extract %reduce_or3A_165[0, 0, 0] : f32 from vector<1x1x1xf32>
          %reduce_or3A_167 = arith.constant 0.000000e+00 : f32
          %reduce_or3A_168 = arith.cmpf ogt, %reduce_or3A_166, %reduce_or3A_167 : f32
          scf.yield %max3A_157, %reduce_or3A_168 : vector<1x128xf32>, i1
        }
        scf.yield %while3A_142#0 : vector<1x128xf32>
      } else {
        scf.yield %get3A_105 : vector<1x128xf32>
      }
      %swap3A_111 = arith.constant 0 : index
      %swap3A_112 = arith.index_cast %multiple_of3A : i32 to index
      %swap3A_113 = vector.load %arg3[%swap3A_111, %swap3A_112] : memref<1x5120xf32, #tpu.memory_space<vmem>>, vector<1x128xf32>
      tpu.vector_store %arg3[%swap3A_111, %swap3A_112], %cond3A_110 {strides = array<i32>} : memref<1x5120xf32, #tpu.memory_space<vmem>>, vector<1x128xf32>,
      %transpose3A_114 = tpu.transpose %cond3A_110, [1, 0] : vector<1x128xf32> -> vector<128x1xf32>
      %mul3A_115 = arith.constant 1.000000e+09 : f32
      %mul3A_116 = vector.broadcast %mul3A_115 : f32 to vector<128x1xf32>
      %mul3A_117 = arith.mulf %transpose3A_114, %mul3A_116 : vector<128x1xf32>
      %add3A_118 = arith.addf %get3A_38, %mul3A_117 : vector<128x1xf32>
      %sub3A_119 = arith.constant 39 : i32
      %sub3A_120 = arith.subi %sub3A_119, %scan3A_33 : i32
      %and3A = arith.constant 1 : i32
      %and3A_121 = arith.andi %sub3A_120, %and3A : i32
      %add3A_122 = arith.constant 128 : i32
      %add3A_123 = arith.addi %multiple_of3A, %add3A_122 : i32
      %eq3A = arith.constant 1 : i32
      %eq3A_124 = arith.cmpi eq, %and3A_121, %eq3A : i32
      %convert_element_type3A_125 = arith.extui %eq3A_124 : i1 to i32
      %cond3A_126 = arith.constant 0 : i32
      %cond3A_127 = arith.cmpi ne, %convert_element_type3A_125, %cond3A_126 : i32
      scf.if %cond3A_127 {
        %multiple_of3A_141 = tpu.assume_multiple %add3A_123, 128 : i32
        %multiple_of3A_142 = tpu.assume_multiple %add3A_123, 128 : i32
        %get3A_143 = arith.constant 0 : index
        %get3A_144 = arith.index_cast %multiple_of3A_142 : i32 to index
        %get3A_145 = vector.load %arg4[%get3A_143, %get3A_144] : memref<16x5120xf32, #tpu.memory_space<vmem>>, vector<1x128xf32>
        %get3A_146 = arith.constant 1 : index
        %get3A_147 = arith.index_cast %multiple_of3A_142 : i32 to index
        %get3A_148 = vector.load %arg4[%get3A_146, %get3A_147] : memref<16x5120xf32, #tpu.memory_space<vmem>>, vector<1x128xf32>
        %get3A_149 = arith.constant 2 : index
        %get3A_150 = arith.index_cast %multiple_of3A_142 : i32 to index
        %get3A_151 = vector.load %arg4[%get3A_149, %get3A_150] : memref<16x5120xf32, #tpu.memory_space<vmem>>, vector<1x128xf32>
        %get3A_152 = arith.constant 3 : index
        %get3A_153 = arith.index_cast %multiple_of3A_142 : i32 to index
        %get3A_154 = vector.load %arg4[%get3A_152, %get3A_153] : memref<16x5120xf32, #tpu.memory_space<vmem>>, vector<1x128xf32>
        %get3A_155 = arith.constant 9 : index
        %get3A_156 = arith.index_cast %multiple_of3A_142 : i32 to index
        %get3A_157 = vector.load %arg4[%get3A_155, %get3A_156] : memref<16x5120xf32, #tpu.memory_space<vmem>>, vector<1x128xf32>
        %max3A_158 = vector.broadcast %add3A_118 : vector<128x1xf32> to vector<128x128xf32>
        %max3A_159 = vector.broadcast %get3A_145 : vector<1x128xf32> to vector<128x128xf32>
        %max3A_160 = arith.maximumf %max3A_158, %max3A_159 : vector<128x128xf32>
        %max3A_161 = vector.broadcast %get3A_41 : vector<128x1xf32> to vector<128x128xf32>
        %max3A_162 = vector.broadcast %get3A_148 : vector<1x128xf32> to vector<128x128xf32>
        %max3A_163 = arith.maximumf %max3A_161, %max3A_162 : vector<128x128xf32>
        %min3A_164 = vector.broadcast %get3A_44 : vector<128x1xf32> to vector<128x128xf32>
        %min3A_165 = vector.broadcast %get3A_151 : vector<1x128xf32> to vector<128x128xf32>
        %min3A_166 = arith.minimumf %min3A_164, %min3A_165 : vector<128x128xf32>
        %min3A_167 = vector.broadcast %get3A_47 : vector<128x1xf32> to vector<128x128xf32>
        %min3A_168 = vector.broadcast %get3A_154 : vector<1x128xf32> to vector<128x128xf32>
        %min3A_169 = arith.minimumf %min3A_167, %min3A_168 : vector<128x128xf32>
        %sub3A_170 = arith.subf %min3A_166, %max3A_160 : vector<128x128xf32>
        %max3A_171 = arith.constant 0.000000e+00 : f32
        %max3A_172 = vector.broadcast %max3A_171 : f32 to vector<128x128xf32>
        %max3A_173 = arith.maximumf %sub3A_170, %max3A_172 : vector<128x128xf32>
        %sub3A_174 = arith.subf %min3A_169, %max3A_163 : vector<128x128xf32>
        %max3A_175 = arith.constant 0.000000e+00 : f32
        %max3A_176 = vector.broadcast %max3A_175 : f32 to vector<128x128xf32>
        %max3A_177 = arith.maximumf %sub3A_174, %max3A_176 : vector<128x128xf32>
        %mul3A_178 = arith.mulf %max3A_173, %max3A_177 : vector<128x128xf32>
        %add3A_179 = vector.broadcast %get3A_50 : vector<128x1xf32> to vector<128x128xf32>
        %add3A_180 = vector.broadcast %get3A_157 : vector<1x128xf32> to vector<128x128xf32>
        %add3A_181 = arith.addf %add3A_179, %add3A_180 : vector<128x128xf32>
        %sub3A_182 = arith.subf %add3A_181, %mul3A_178 : vector<128x128xf32>
        %max3A_183 = arith.constant 9.99999971E-10 : f32
        %max3A_184 = vector.broadcast %max3A_183 : f32 to vector<128x128xf32>
        %max3A_185 = arith.maximumf %sub3A_182, %max3A_184 : vector<128x128xf32>
        %div3A_186 = arith.divf %mul3A_178, %max3A_185 : vector<128x128xf32>
        %reduce_max3A = arith.constant dense<0xFF800000> : vector<128xf32>
        %reduce_max3A_187 = vector.multi_reduction <maximumf>, %div3A_186, %reduce_max3A [0] : vector<128x128xf32> to vector<128xf32>
        %broadcast_in_dim3A_188 = vector.shape_cast %reduce_max3A_187 : vector<128xf32> to vector<1x128xf32>
        %get3A_189 = arith.constant 0 : index
        %get3A_190 = arith.index_cast %multiple_of3A_141 : i32 to index
        %get3A_191 = vector.load %arg3[%get3A_189, %get3A_190] : memref<1x5120xf32, #tpu.memory_space<vmem>>, vector<1x128xf32>
        %gt3A_192 = arith.constant 7.500000e-01 : f32
        %gt3A_193 = vector.broadcast %gt3A_192 : f32 to vector<1x128xf32>
        %gt3A_194 = arith.cmpf ogt, %broadcast_in_dim3A_188, %gt3A_193 : vector<1x128xf32>
        %convert_element_type3A_195 = arith.extui %gt3A_194 : vector<1x128xi1> to vector<1x128xi32>
        %convert_element_type3A_196 = arith.sitofp %convert_element_type3A_195 : vector<1x128xi32> to vector<1x128xf32>
        %max3A_197 = arith.maximumf %get3A_191, %convert_element_type3A_196 : vector<1x128xf32>
        %swap3A_198 = arith.constant 0 : index
        %swap3A_199 = arith.index_cast %multiple_of3A_141 : i32 to index
        %swap3A_200 = vector.load %arg3[%swap3A_198, %swap3A_199] : memref<1x5120xf32, #tpu.memory_space<vmem>>, vector<1x128xf32>
        tpu.vector_store %arg3[%swap3A_198, %swap3A_199], %max3A_197 {strides = array<i32>} : memref<1x5120xf32, #tpu.memory_space<vmem>>, vector<1x128xf32>,
      } else {
      }
      %mul3A_128 = arith.constant 128 : i32
      %mul3A_129 = arith.muli %and3A_121, %mul3A_128 : i32
      %add3A_130 = arith.addi %add3A_123, %mul3A_129 : i32
      %shift_right_arithmetic3A = arith.constant 1 : i32
      %shift_right_arithmetic3A_131 = arith.shrsi %sub3A_120, %shift_right_arithmetic3A : i32
      %while3A = arith.constant 0 : i32
      %while3A_132 = arith.constant 0 : i32
      %while3A_133 = arith.subi %shift_right_arithmetic3A_131, %while3A_132 : i32
      %while3A_134 = arith.addi %while3A_132, %while3A_133 : i32
      %while3A_135 = arith.constant 1 : i32
      %while3A_136 = arith.divsi %while3A_133, %while3A_135 : i32
      %while3A_137 = arith.muli %while3A_136, %while3A_135 : i32
      %while3A_138 = arith.addi %while3A_132, %while3A_137 : i32
      %while3A_139 = arith.constant 1 : i32
      scf.for %while3A_141 = %while3A_132 to %while3A_138 step %while3A_139  : i32 {
        %mul3A_142 = arith.constant 2 : i32
        %mul3A_143 = arith.muli %mul3A_142, %while3A_141 : i32
        %mul3A_144 = arith.constant 128 : i32
        %mul3A_145 = arith.muli %mul3A_143, %mul3A_144 : i32
        %add3A_146 = arith.addi %add3A_130, %mul3A_145 : i32
        %multiple_of3A_147 = tpu.assume_multiple %add3A_146, 128 : i32
        %add3A_148 = arith.constant 128 : i32
        %add3A_149 = arith.addi %multiple_of3A_147, %add3A_148 : i32
        %multiple_of3A_150 = tpu.assume_multiple %add3A_149, 128 : i32
        %get3A_151 = arith.constant 0 : index
        %get3A_152 = arith.index_cast %multiple_of3A_147 : i32 to index
        %get3A_153 = vector.load %arg4[%get3A_151, %get3A_152] : memref<16x5120xf32, #tpu.memory_space<vmem>>, vector<1x128xf32>
        %get3A_154 = arith.constant 1 : index
        %get3A_155 = arith.index_cast %multiple_of3A_147 : i32 to index
        %get3A_156 = vector.load %arg4[%get3A_154, %get3A_155] : memref<16x5120xf32, #tpu.memory_space<vmem>>, vector<1x128xf32>
        %get3A_157 = arith.constant 2 : index
        %get3A_158 = arith.index_cast %multiple_of3A_147 : i32 to index
        %get3A_159 = vector.load %arg4[%get3A_157, %get3A_158] : memref<16x5120xf32, #tpu.memory_space<vmem>>, vector<1x128xf32>
        %get3A_160 = arith.constant 3 : index
        %get3A_161 = arith.index_cast %multiple_of3A_147 : i32 to index
        %get3A_162 = vector.load %arg4[%get3A_160, %get3A_161] : memref<16x5120xf32, #tpu.memory_space<vmem>>, vector<1x128xf32>
        %get3A_163 = arith.constant 9 : index
        %get3A_164 = arith.index_cast %multiple_of3A_147 : i32 to index
        %get3A_165 = vector.load %arg4[%get3A_163, %get3A_164] : memref<16x5120xf32, #tpu.memory_space<vmem>>, vector<1x128xf32>
        %max3A_166 = vector.broadcast %add3A_118 : vector<128x1xf32> to vector<128x128xf32>
        %max3A_167 = vector.broadcast %get3A_153 : vector<1x128xf32> to vector<128x128xf32>
        %max3A_168 = arith.maximumf %max3A_166, %max3A_167 : vector<128x128xf32>
        %max3A_169 = vector.broadcast %get3A_41 : vector<128x1xf32> to vector<128x128xf32>
        %max3A_170 = vector.broadcast %get3A_156 : vector<1x128xf32> to vector<128x128xf32>
        %max3A_171 = arith.maximumf %max3A_169, %max3A_170 : vector<128x128xf32>
        %min3A_172 = vector.broadcast %get3A_44 : vector<128x1xf32> to vector<128x128xf32>
        %min3A_173 = vector.broadcast %get3A_159 : vector<1x128xf32> to vector<128x128xf32>
        %min3A_174 = arith.minimumf %min3A_172, %min3A_173 : vector<128x128xf32>
        %min3A_175 = vector.broadcast %get3A_47 : vector<128x1xf32> to vector<128x128xf32>
        %min3A_176 = vector.broadcast %get3A_162 : vector<1x128xf32> to vector<128x128xf32>
        %min3A_177 = arith.minimumf %min3A_175, %min3A_176 : vector<128x128xf32>
        %sub3A_178 = arith.subf %min3A_174, %max3A_168 : vector<128x128xf32>
        %max3A_179 = arith.constant 0.000000e+00 : f32
        %max3A_180 = vector.broadcast %max3A_179 : f32 to vector<128x128xf32>
        %max3A_181 = arith.maximumf %sub3A_178, %max3A_180 : vector<128x128xf32>
        %sub3A_182 = arith.subf %min3A_177, %max3A_171 : vector<128x128xf32>
        %max3A_183 = arith.constant 0.000000e+00 : f32
        %max3A_184 = vector.broadcast %max3A_183 : f32 to vector<128x128xf32>
        %max3A_185 = arith.maximumf %sub3A_182, %max3A_184 : vector<128x128xf32>
        %mul3A_186 = arith.mulf %max3A_181, %max3A_185 : vector<128x128xf32>
        %add3A_187 = vector.broadcast %get3A_50 : vector<128x1xf32> to vector<128x128xf32>
        %add3A_188 = vector.broadcast %get3A_165 : vector<1x128xf32> to vector<128x128xf32>
        %add3A_189 = arith.addf %add3A_187, %add3A_188 : vector<128x128xf32>
        %sub3A_190 = arith.subf %add3A_189, %mul3A_186 : vector<128x128xf32>
        %max3A_191 = arith.constant 9.99999971E-10 : f32
        %max3A_192 = vector.broadcast %max3A_191 : f32 to vector<128x128xf32>
        %max3A_193 = arith.maximumf %sub3A_190, %max3A_192 : vector<128x128xf32>
        %div3A_194 = arith.divf %mul3A_186, %max3A_193 : vector<128x128xf32>
        %reduce_max3A = arith.constant dense<0xFF800000> : vector<128xf32>
        %reduce_max3A_195 = vector.multi_reduction <maximumf>, %div3A_194, %reduce_max3A [0] : vector<128x128xf32> to vector<128xf32>
        %broadcast_in_dim3A_196 = vector.shape_cast %reduce_max3A_195 : vector<128xf32> to vector<1x128xf32>
        %get3A_197 = arith.constant 0 : index
        %get3A_198 = arith.index_cast %multiple_of3A_150 : i32 to index
        %get3A_199 = vector.load %arg4[%get3A_197, %get3A_198] : memref<16x5120xf32, #tpu.memory_space<vmem>>, vector<1x128xf32>
        %get3A_200 = arith.constant 1 : index
        %get3A_201 = arith.index_cast %multiple_of3A_150 : i32 to index
        %get3A_202 = vector.load %arg4[%get3A_200, %get3A_201] : memref<16x5120xf32, #tpu.memory_space<vmem>>, vector<1x128xf32>
        %get3A_203 = arith.constant 2 : index
        %get3A_204 = arith.index_cast %multiple_of3A_150 : i32 to index
        %get3A_205 = vector.load %arg4[%get3A_203, %get3A_204] : memref<16x5120xf32, #tpu.memory_space<vmem>>, vector<1x128xf32>
        %get3A_206 = arith.constant 3 : index
        %get3A_207 = arith.index_cast %multiple_of3A_150 : i32 to index
        %get3A_208 = vector.load %arg4[%get3A_206, %get3A_207] : memref<16x5120xf32, #tpu.memory_space<vmem>>, vector<1x128xf32>
        %get3A_209 = arith.constant 9 : index
        %get3A_210 = arith.index_cast %multiple_of3A_150 : i32 to index
        %get3A_211 = vector.load %arg4[%get3A_209, %get3A_210] : memref<16x5120xf32, #tpu.memory_space<vmem>>, vector<1x128xf32>
        %max3A_212 = vector.broadcast %add3A_118 : vector<128x1xf32> to vector<128x128xf32>
        %max3A_213 = vector.broadcast %get3A_199 : vector<1x128xf32> to vector<128x128xf32>
        %max3A_214 = arith.maximumf %max3A_212, %max3A_213 : vector<128x128xf32>
        %max3A_215 = vector.broadcast %get3A_41 : vector<128x1xf32> to vector<128x128xf32>
        %max3A_216 = vector.broadcast %get3A_202 : vector<1x128xf32> to vector<128x128xf32>
        %max3A_217 = arith.maximumf %max3A_215, %max3A_216 : vector<128x128xf32>
        %min3A_218 = vector.broadcast %get3A_44 : vector<128x1xf32> to vector<128x128xf32>
        %min3A_219 = vector.broadcast %get3A_205 : vector<1x128xf32> to vector<128x128xf32>
        %min3A_220 = arith.minimumf %min3A_218, %min3A_219 : vector<128x128xf32>
        %min3A_221 = vector.broadcast %get3A_47 : vector<128x1xf32> to vector<128x128xf32>
        %min3A_222 = vector.broadcast %get3A_208 : vector<1x128xf32> to vector<128x128xf32>
        %min3A_223 = arith.minimumf %min3A_221, %min3A_222 : vector<128x128xf32>
        %sub3A_224 = arith.subf %min3A_220, %max3A_214 : vector<128x128xf32>
        %max3A_225 = arith.constant 0.000000e+00 : f32
        %max3A_226 = vector.broadcast %max3A_225 : f32 to vector<128x128xf32>
        %max3A_227 = arith.maximumf %sub3A_224, %max3A_226 : vector<128x128xf32>
        %sub3A_228 = arith.subf %min3A_223, %max3A_217 : vector<128x128xf32>
        %max3A_229 = arith.constant 0.000000e+00 : f32
        %max3A_230 = vector.broadcast %max3A_229 : f32 to vector<128x128xf32>
        %max3A_231 = arith.maximumf %sub3A_228, %max3A_230 : vector<128x128xf32>
        %mul3A_232 = arith.mulf %max3A_227, %max3A_231 : vector<128x128xf32>
        %add3A_233 = vector.broadcast %get3A_50 : vector<128x1xf32> to vector<128x128xf32>
        %add3A_234 = vector.broadcast %get3A_211 : vector<1x128xf32> to vector<128x128xf32>
        %add3A_235 = arith.addf %add3A_233, %add3A_234 : vector<128x128xf32>
        %sub3A_236 = arith.subf %add3A_235, %mul3A_232 : vector<128x128xf32>
        %max3A_237 = arith.constant 9.99999971E-10 : f32
        %max3A_238 = vector.broadcast %max3A_237 : f32 to vector<128x128xf32>
        %max3A_239 = arith.maximumf %sub3A_236, %max3A_238 : vector<128x128xf32>
        %div3A_240 = arith.divf %mul3A_232, %max3A_239 : vector<128x128xf32>
        %reduce_max3A_241 = arith.constant dense<0xFF800000> : vector<128xf32>
        %reduce_max3A_242 = vector.multi_reduction <maximumf>, %div3A_240, %reduce_max3A_241 [0] : vector<128x128xf32> to vector<128xf32>
        %broadcast_in_dim3A_243 = vector.shape_cast %reduce_max3A_242 : vector<128xf32> to vector<1x128xf32>
        %concatenate3A_244 = tpu.concatenate %broadcast_in_dim3A_196, %broadcast_in_dim3A_243 in 1 : vector<1x128xf32>, vector<1x128xf32> -> vector<1x256xf32>
        %get3A_245 = arith.constant 0 : index
        %get3A_246 = arith.index_cast %multiple_of3A_147 : i32 to index
        %get3A_247 = vector.load %arg3[%get3A_245, %get3A_246] : memref<1x5120xf32, #tpu.memory_space<vmem>>, vector<1x256xf32>
        %gt3A_248 = arith.constant 7.500000e-01 : f32
        %gt3A_249 = vector.broadcast %gt3A_248 : f32 to vector<1x256xf32>
        %gt3A_250 = arith.cmpf ogt, %concatenate3A_244, %gt3A_249 : vector<1x256xf32>
        %convert_element_type3A_251 = arith.extui %gt3A_250 : vector<1x256xi1> to vector<1x256xi32>
        %convert_element_type3A_252 = arith.sitofp %convert_element_type3A_251 : vector<1x256xi32> to vector<1x256xf32>
        %max3A_253 = arith.maximumf %get3A_247, %convert_element_type3A_252 : vector<1x256xf32>
        %swap3A_254 = arith.constant 0 : index
        %swap3A_255 = arith.index_cast %multiple_of3A_147 : i32 to index
        %swap3A_256 = vector.load %arg3[%swap3A_254, %swap3A_255] : memref<1x5120xf32, #tpu.memory_space<vmem>>, vector<1x256xf32>
        tpu.vector_store %arg3[%swap3A_254, %swap3A_255], %max3A_253 {strides = array<i32>} : memref<1x5120xf32, #tpu.memory_space<vmem>>, vector<1x256xf32>,
      }
      %while3A_140 = arith.constant 1 : i32
      scf.for %while3A_141 = %while3A_138 to %while3A_134 step %while3A_140  : i32 {
        %mul3A_142 = arith.constant 2 : i32
        %mul3A_143 = arith.muli %mul3A_142, %while3A_141 : i32
        %mul3A_144 = arith.constant 128 : i32
        %mul3A_145 = arith.muli %mul3A_143, %mul3A_144 : i32
        %add3A_146 = arith.addi %add3A_130, %mul3A_145 : i32
        %multiple_of3A_147 = tpu.assume_multiple %add3A_146, 128 : i32
        %add3A_148 = arith.constant 128 : i32
        %add3A_149 = arith.addi %multiple_of3A_147, %add3A_148 : i32
        %multiple_of3A_150 = tpu.assume_multiple %add3A_149, 128 : i32
        %get3A_151 = arith.constant 0 : index
        %get3A_152 = arith.index_cast %multiple_of3A_147 : i32 to index
        %get3A_153 = vector.load %arg4[%get3A_151, %get3A_152] : memref<16x5120xf32, #tpu.memory_space<vmem>>, vector<1x128xf32>
        %get3A_154 = arith.constant 1 : index
        %get3A_155 = arith.index_cast %multiple_of3A_147 : i32 to index
        %get3A_156 = vector.load %arg4[%get3A_154, %get3A_155] : memref<16x5120xf32, #tpu.memory_space<vmem>>, vector<1x128xf32>
        %get3A_157 = arith.constant 2 : index
        %get3A_158 = arith.index_cast %multiple_of3A_147 : i32 to index
        %get3A_159 = vector.load %arg4[%get3A_157, %get3A_158] : memref<16x5120xf32, #tpu.memory_space<vmem>>, vector<1x128xf32>
        %get3A_160 = arith.constant 3 : index
        %get3A_161 = arith.index_cast %multiple_of3A_147 : i32 to index
        %get3A_162 = vector.load %arg4[%get3A_160, %get3A_161] : memref<16x5120xf32, #tpu.memory_space<vmem>>, vector<1x128xf32>
        %get3A_163 = arith.constant 9 : index
        %get3A_164 = arith.index_cast %multiple_of3A_147 : i32 to index
        %get3A_165 = vector.load %arg4[%get3A_163, %get3A_164] : memref<16x5120xf32, #tpu.memory_space<vmem>>, vector<1x128xf32>
        %max3A_166 = vector.broadcast %add3A_118 : vector<128x1xf32> to vector<128x128xf32>
        %max3A_167 = vector.broadcast %get3A_153 : vector<1x128xf32> to vector<128x128xf32>
        %max3A_168 = arith.maximumf %max3A_166, %max3A_167 : vector<128x128xf32>
        %max3A_169 = vector.broadcast %get3A_41 : vector<128x1xf32> to vector<128x128xf32>
        %max3A_170 = vector.broadcast %get3A_156 : vector<1x128xf32> to vector<128x128xf32>
        %max3A_171 = arith.maximumf %max3A_169, %max3A_170 : vector<128x128xf32>
        %min3A_172 = vector.broadcast %get3A_44 : vector<128x1xf32> to vector<128x128xf32>
        %min3A_173 = vector.broadcast %get3A_159 : vector<1x128xf32> to vector<128x128xf32>
        %min3A_174 = arith.minimumf %min3A_172, %min3A_173 : vector<128x128xf32>
        %min3A_175 = vector.broadcast %get3A_47 : vector<128x1xf32> to vector<128x128xf32>
        %min3A_176 = vector.broadcast %get3A_162 : vector<1x128xf32> to vector<128x128xf32>
        %min3A_177 = arith.minimumf %min3A_175, %min3A_176 : vector<128x128xf32>
        %sub3A_178 = arith.subf %min3A_174, %max3A_168 : vector<128x128xf32>
        %max3A_179 = arith.constant 0.000000e+00 : f32
        %max3A_180 = vector.broadcast %max3A_179 : f32 to vector<128x128xf32>
        %max3A_181 = arith.maximumf %sub3A_178, %max3A_180 : vector<128x128xf32>
        %sub3A_182 = arith.subf %min3A_177, %max3A_171 : vector<128x128xf32>
        %max3A_183 = arith.constant 0.000000e+00 : f32
        %max3A_184 = vector.broadcast %max3A_183 : f32 to vector<128x128xf32>
        %max3A_185 = arith.maximumf %sub3A_182, %max3A_184 : vector<128x128xf32>
        %mul3A_186 = arith.mulf %max3A_181, %max3A_185 : vector<128x128xf32>
        %add3A_187 = vector.broadcast %get3A_50 : vector<128x1xf32> to vector<128x128xf32>
        %add3A_188 = vector.broadcast %get3A_165 : vector<1x128xf32> to vector<128x128xf32>
        %add3A_189 = arith.addf %add3A_187, %add3A_188 : vector<128x128xf32>
        %sub3A_190 = arith.subf %add3A_189, %mul3A_186 : vector<128x128xf32>
        %max3A_191 = arith.constant 9.99999971E-10 : f32
        %max3A_192 = vector.broadcast %max3A_191 : f32 to vector<128x128xf32>
        %max3A_193 = arith.maximumf %sub3A_190, %max3A_192 : vector<128x128xf32>
        %div3A_194 = arith.divf %mul3A_186, %max3A_193 : vector<128x128xf32>
        %reduce_max3A = arith.constant dense<0xFF800000> : vector<128xf32>
        %reduce_max3A_195 = vector.multi_reduction <maximumf>, %div3A_194, %reduce_max3A [0] : vector<128x128xf32> to vector<128xf32>
        %broadcast_in_dim3A_196 = vector.shape_cast %reduce_max3A_195 : vector<128xf32> to vector<1x128xf32>
        %get3A_197 = arith.constant 0 : index
        %get3A_198 = arith.index_cast %multiple_of3A_150 : i32 to index
        %get3A_199 = vector.load %arg4[%get3A_197, %get3A_198] : memref<16x5120xf32, #tpu.memory_space<vmem>>, vector<1x128xf32>
        %get3A_200 = arith.constant 1 : index
        %get3A_201 = arith.index_cast %multiple_of3A_150 : i32 to index
        %get3A_202 = vector.load %arg4[%get3A_200, %get3A_201] : memref<16x5120xf32, #tpu.memory_space<vmem>>, vector<1x128xf32>
        %get3A_203 = arith.constant 2 : index
        %get3A_204 = arith.index_cast %multiple_of3A_150 : i32 to index
        %get3A_205 = vector.load %arg4[%get3A_203, %get3A_204] : memref<16x5120xf32, #tpu.memory_space<vmem>>, vector<1x128xf32>
        %get3A_206 = arith.constant 3 : index
        %get3A_207 = arith.index_cast %multiple_of3A_150 : i32 to index
        %get3A_208 = vector.load %arg4[%get3A_206, %get3A_207] : memref<16x5120xf32, #tpu.memory_space<vmem>>, vector<1x128xf32>
        %get3A_209 = arith.constant 9 : index
        %get3A_210 = arith.index_cast %multiple_of3A_150 : i32 to index
        %get3A_211 = vector.load %arg4[%get3A_209, %get3A_210] : memref<16x5120xf32, #tpu.memory_space<vmem>>, vector<1x128xf32>
        %max3A_212 = vector.broadcast %add3A_118 : vector<128x1xf32> to vector<128x128xf32>
        %max3A_213 = vector.broadcast %get3A_199 : vector<1x128xf32> to vector<128x128xf32>
        %max3A_214 = arith.maximumf %max3A_212, %max3A_213 : vector<128x128xf32>
        %max3A_215 = vector.broadcast %get3A_41 : vector<128x1xf32> to vector<128x128xf32>
        %max3A_216 = vector.broadcast %get3A_202 : vector<1x128xf32> to vector<128x128xf32>
        %max3A_217 = arith.maximumf %max3A_215, %max3A_216 : vector<128x128xf32>
        %min3A_218 = vector.broadcast %get3A_44 : vector<128x1xf32> to vector<128x128xf32>
        %min3A_219 = vector.broadcast %get3A_205 : vector<1x128xf32> to vector<128x128xf32>
        %min3A_220 = arith.minimumf %min3A_218, %min3A_219 : vector<128x128xf32>
        %min3A_221 = vector.broadcast %get3A_47 : vector<128x1xf32> to vector<128x128xf32>
        %min3A_222 = vector.broadcast %get3A_208 : vector<1x128xf32> to vector<128x128xf32>
        %min3A_223 = arith.minimumf %min3A_221, %min3A_222 : vector<128x128xf32>
        %sub3A_224 = arith.subf %min3A_220, %max3A_214 : vector<128x128xf32>
        %max3A_225 = arith.constant 0.000000e+00 : f32
        %max3A_226 = vector.broadcast %max3A_225 : f32 to vector<128x128xf32>
        %max3A_227 = arith.maximumf %sub3A_224, %max3A_226 : vector<128x128xf32>
        %sub3A_228 = arith.subf %min3A_223, %max3A_217 : vector<128x128xf32>
        %max3A_229 = arith.constant 0.000000e+00 : f32
        %max3A_230 = vector.broadcast %max3A_229 : f32 to vector<128x128xf32>
        %max3A_231 = arith.maximumf %sub3A_228, %max3A_230 : vector<128x128xf32>
        %mul3A_232 = arith.mulf %max3A_227, %max3A_231 : vector<128x128xf32>
        %add3A_233 = vector.broadcast %get3A_50 : vector<128x1xf32> to vector<128x128xf32>
        %add3A_234 = vector.broadcast %get3A_211 : vector<1x128xf32> to vector<128x128xf32>
        %add3A_235 = arith.addf %add3A_233, %add3A_234 : vector<128x128xf32>
        %sub3A_236 = arith.subf %add3A_235, %mul3A_232 : vector<128x128xf32>
        %max3A_237 = arith.constant 9.99999971E-10 : f32
        %max3A_238 = vector.broadcast %max3A_237 : f32 to vector<128x128xf32>
        %max3A_239 = arith.maximumf %sub3A_236, %max3A_238 : vector<128x128xf32>
        %div3A_240 = arith.divf %mul3A_232, %max3A_239 : vector<128x128xf32>
        %reduce_max3A_241 = arith.constant dense<0xFF800000> : vector<128xf32>
        %reduce_max3A_242 = vector.multi_reduction <maximumf>, %div3A_240, %reduce_max3A_241 [0] : vector<128x128xf32> to vector<128xf32>
        %broadcast_in_dim3A_243 = vector.shape_cast %reduce_max3A_242 : vector<128xf32> to vector<1x128xf32>
        %concatenate3A_244 = tpu.concatenate %broadcast_in_dim3A_196, %broadcast_in_dim3A_243 in 1 : vector<1x128xf32>, vector<1x128xf32> -> vector<1x256xf32>
        %get3A_245 = arith.constant 0 : index
        %get3A_246 = arith.index_cast %multiple_of3A_147 : i32 to index
        %get3A_247 = vector.load %arg3[%get3A_245, %get3A_246] : memref<1x5120xf32, #tpu.memory_space<vmem>>, vector<1x256xf32>
        %gt3A_248 = arith.constant 7.500000e-01 : f32
        %gt3A_249 = vector.broadcast %gt3A_248 : f32 to vector<1x256xf32>
        %gt3A_250 = arith.cmpf ogt, %concatenate3A_244, %gt3A_249 : vector<1x256xf32>
        %convert_element_type3A_251 = arith.extui %gt3A_250 : vector<1x256xi1> to vector<1x256xi32>
        %convert_element_type3A_252 = arith.sitofp %convert_element_type3A_251 : vector<1x256xi32> to vector<1x256xf32>
        %max3A_253 = arith.maximumf %get3A_247, %convert_element_type3A_252 : vector<1x256xf32>
        %swap3A_254 = arith.constant 0 : index
        %swap3A_255 = arith.index_cast %multiple_of3A_147 : i32 to index
        %swap3A_256 = vector.load %arg3[%swap3A_254, %swap3A_255] : memref<1x5120xf32, #tpu.memory_space<vmem>>, vector<1x256xf32>
        tpu.vector_store %arg3[%swap3A_254, %swap3A_255], %max3A_253 {strides = array<i32>} : memref<1x5120xf32, #tpu.memory_space<vmem>>, vector<1x256xf32>,
      }
    }
    %scan3A_13 = arith.constant 40 : i32
    %get3A_14 = arith.constant 0 : index
    %get3A_15 = arith.constant 0 : index
    %get3A_16 = vector.load %arg3[%get3A_14, %get3A_15] : memref<1x5120xf32, #tpu.memory_space<vmem>>, vector<1x5120xf32>
    %sub3A = arith.constant 1.000000e+00 : f32
    %sub3A_17 = vector.broadcast %sub3A : f32 to vector<1x5120xf32>
    %sub3A_18 = arith.subf %sub3A_17, %get3A_16 : vector<1x5120xf32>
    %get3A_19 = arith.constant 5 : index
    %get3A_20 = arith.constant 0 : index
    %get3A_21 = vector.load %arg4[%get3A_19, %get3A_20] : memref<16x5120xf32, #tpu.memory_space<vmem>>, vector<4x5120xf32>
    %mul3A = vector.broadcast %sub3A_18 : vector<1x5120xf32> to vector<4x5120xf32>
    %mul3A_22 = arith.mulf %get3A_21, %mul3A : vector<4x5120xf32>
    %get3A_23 = arith.constant 4 : index
    %get3A_24 = arith.constant 0 : index
    %get3A_25 = vector.load %arg4[%get3A_23, %get3A_24] : memref<16x5120xf32, #tpu.memory_space<vmem>>, vector<1x5120xf32>
    %mul3A_26 = arith.mulf %get3A_25, %sub3A_18 : vector<1x5120xf32>
    %broadcast_in_dim3A_27 = arith.constant 0.000000e+00 : f32
    %broadcast_in_dim3A_28 = vector.broadcast %broadcast_in_dim3A_27 : f32 to vector<3x5120xf32>
    %concatenate3A = tpu.concatenate %mul3A_22, %mul3A_26, %broadcast_in_dim3A_28 in 0 : vector<4x5120xf32>, vector<1x5120xf32>, vector<3x5120xf32> -> vector<8x5120xf32>
    %transpose3A_29 = tpu.transpose %concatenate3A, [1, 0] : vector<8x5120xf32> -> vector<5120x8xf32>
    %swap3A_30 = arith.constant 0 : index
    %swap3A_31 = arith.constant 0 : index
    %swap3A_32 = vector.load %arg1[%swap3A_30, %swap3A_31] : memref<5120x8xf32, #tpu.memory_space<vmem>>, vector<5120x8xf32>
    tpu.vector_store %arg1[%swap3A_30, %swap3A_31], %transpose3A_29 {strides = array<i32>} : memref<5120x8xf32, #tpu.memory_space<vmem>>, vector<5120x8xf32>,
    return
  }
}

</mosaic_0001>

<sc_bundles>
// kernel: kernel.5.cloned.1.call-start
scs
__scs_entry_jumppad:
0x0: {  	(pc) =	sbr.rel $0x88, $3  }
0x1: {  	(tag) =	ssettag $0x0;
	lr =	simm.s32 $0x1  }
0x2: {  	[smem:$0x3F9E] =	sst lr;
	_ =	strace $0xD0000000  }
0x3: {  	_ = 	snop  }
0x4: {  	_ = 	snop  }
0x5: {  	_ = 	snop  }
0x6: {  	_ = 	snop  }
0x7: {  	_ = 	snop  }
__scs_overlays_trampoline_lowered:
0x8: {  	[smem:$0x3FAD] =	sst s0  }
0x9: {  	[smem:$0x3FAE] =	sst s1  }
0xa: {  	[smem:$0x3FAF] =	sst s2  }
0xb: {  	[smem:$0x3FB0] =	sst s3  }
0xc: {  	[smem:$0x3FB1] =	sst s4  }
0xd: {  	[smem:$0x3FB2] =	sst s5  }
0xe: {  	[smem:$0x3FB3] =	sst s6  }
0xf: {  	[smem:$0x3FB4] =	sst s7  }
0x10: {  	[smem:$0x3FB5] =	sst s8  }
0x11: {  	[smem:$0x3FB6] =	sst s9;
	s0 =	simm.s32 @!p0 $0x0  }
0x12: {  	s1 =	sld [smem:$0x3F9C];
	s0 =	simm.s32 @p0 $0x1  }
0x13: {  	[smem:$0x3FB7] =	sst s0;
	s0 =	simm.s32 @!p1 $0x0  }
0x14: {  	s2 =	sld [smem:$0x3F9B];
	s0 =	simm.s32 @p1 $0x1  }
0x15: {  	[smem:$0x3FB8] =	sst s0;
	s0 =	simm.s32 @!p2 $0x0  }
0x16: {  	s3 =	sld [smem:$0x3FDB];
	s0 =	simm.s32 @p2 $0x1  }
0x17: {  	s4 =	simm.s32 $0x1BF5;
	[smem:$0x3FBA] =	sst s0  }
0x18: {  	s0 =	sld [smem:$0x3F9D];
	_ =	swait.ge [sflag:s4], $0x0  }
0x19: {  	s7 =	sld [smem:$0x3F9E]  }
0x1a: {  	s8 =	sadd.s32 $0xFFFFE003, lr  }
0x1b: {  	s9 =	sadd.s32 $0xFFFFFEF7, lr;
	s5 =	simm.s32 $0xFFFFFFFF;
	p2 =	slt.u32 s8, $0xFFFFF086  }
0x1c: {  	p1 =	slt.u32 s9, $0xF7A;
	s5 =	simm.s32 @!p2 $0x0  }
0x1d: {  	s5 =	simm.s32 @p1 $0x1;
	p0 =	seq.s32 s7, s2  }
0x1e: {  	s7 =	smul.u32 @!p0 $0xF7A, s2;
	p2 =	seq.s32 @!p0 s5, $0x0  }
0x1f: {  	s9 =	smul.u32 $0xF7A, s1;
	s8 =	simm.s32 @!p0 $0x1BF5;
	p2 =	por !p2, p0  }
0x20: {  	[sflag:s8] =	ssyncset.s32 @!p0 $0xFFFFF086;
	s6 =	sadd.s32 @!p0 s3, s7;
	s7 =	simm.s32 @!p0 $0x108  }
0x21: {  	s3 =	sadd.s32 s3, s9;
	s6 =	sadd.s32 @!p0 $0x88, s6;
	s7 =	simm.s32 @p2 $0x1082  }
0x22: {  	[simem:s7], [sflag:s8] =	dma.local @!p0 [hbm:s6], $0xF7A  }
0x23: {  	s9 =	sor.u32 $0xD0000000, s2;
	s6 =	simm.s32 $0x108;
	_ =	swait.ge @!p0 [sflag:s8], $0x0  }
0x24: {  	s3 =	sadd.s32 $0x88, s3;
	s6 =	simm.s32 @!p1 $0x1082;
	[sflag:s4] =	ssyncset.s32 $0xFFFFF086  }
0x25: {  	[simem:s6], [sflag:s4] =	dma.local [hbm:s3], $0xF7A  }
0x26: {  	[smem:$0x3F9E] =	sst s1;
	(tag) =	ssettag s2;
	_ =	strace s9  }
0x27: {  	s1 =	sld [smem:$0x3FAE]  }
0x28: {  	s2 =	sld [smem:$0x3FAF]  }
0x29: {  	s4 =	sld [smem:$0x3FB1]  }
0x2a: {  	p0 =	seq.s32 s5, $0x0;
	s5 =	sld [smem:$0x3FB2]  }
0x2b: {  	s6 =	sld [smem:$0x3FB3]  }
0x2c: {  	s7 =	sld [smem:$0x3FB4]  }
0x2d: {  	s3 =	simm.s32 $0x108;
	s8 =	sld [smem:$0x3FB5]  }
0x2e: {  	s3 =	simm.s32 @!p0 $0x1082;
	s9 =	sld [smem:$0x3FB6]  }
0x2f: {  	lr =	sadd.s32 s0, s3;
	s0 =	sld [smem:$0x3FAD]  }
0x30: {  	s3 =	sld [smem:$0x3FB0]  }
0x31: {  	[smem:$0x3FB9] =	sst s10  }
0x32: {  	s10 =	sld [smem:$0x3FB7];
	_ =	sdelay $0x3  }
0x33: {  	p0 =	seq.s32 s10, $0x1;
	s10 =	sld [smem:$0x3FB9];
	_ =	sdelay $0x3  }
0x34: {  	[smem:$0x3FB9] =	sst s10  }
0x35: {  	s10 =	sld [smem:$0x3FB8];
	_ =	sdelay $0x3  }
0x36: {  	p1 =	seq.s32 s10, $0x1;
	s10 =	sld [smem:$0x3FB9];
	_ =	sdelay $0x3  }
0x37: {  	[smem:$0x3FB9] =	sst s10  }
0x38: {  	s10 =	sld [smem:$0x3FBA]  }
0x39: {  	_ = 	snop;
	(pc) =	sbr.ind lr, $3  }
0x3a: {  	_ = 	snop  }
0x3b: {  	_ = 	snop  }
0x3c: {  	p2 =	seq.s32 s10, $0x1;
	s10 =	sld [smem:$0x3FB9]  }
0x3d: {  	_ =	shalt  }
0x3e: {  	_ =	shalt  }
0x3f: {  	_ =	shalt  }
0x40: {  	_ =	shalt  }
0x41: {  	_ =	shalt  }
0x42: {  	_ =	shalt  }
0x43: {  	_ =	shalt  }
0x44: {  	_ =	shalt  }
0x45: {  	_ =	shalt  }
0x46: {  	_ =	shalt  }
0x47: {  	_ =	shalt  }
0x48: {  	_ =	shalt  }
0x49: {  	_ =	shalt  }
0x4a: {  	_ =	shalt  }
0x4b: {  	_ =	shalt  }
0x4c: {  	_ =	shalt  }
0x4d: {  	_ =	shalt  }
0x4e: {  	_ =	shalt  }
0x4f: {  	_ =	shalt  }
0x50: {  	_ =	shalt  }
0x51: {  	_ =	shalt  }
0x52: {  	_ =	shalt  }
0x53: {  	_ =	shalt  }
0x54: {  	_ =	shalt  }
0x55: {  	_ =	shalt  }
0x56: {  	_ =	shalt  }
0x57: {  	_ =	shalt  }
0x58: {  	_ =	shalt  }
0x59: {  	_ =	shalt  }
0x5a: {  	_ =	shalt  }
0x5b: {  	_ =	shalt  }
0x5c: {  	_ =	shalt  }
0x5d: {  	_ =	shalt  }
0x5e: {  	_ =	shalt  }
0x5f: {  	_ =	shalt  }
0x60: {  	_ =	shalt  }
0x61: {  	_ =	shalt  }
0x62: {  	_ =	shalt  }
0x63: {  	_ =	shalt  }
0x64: {  	_ =	shalt  }
0x65: {  	_ =	shalt  }
0x66: {  	_ =	shalt  }
0x67: {  	_ =	shalt  }
0x68: {  	_ =	shalt  }
0x69: {  	_ =	shalt  }
0x6a: {  	_ =	shalt  }
0x6b: {  	_ =	shalt  }
0x6c: {  	_ =	shalt  }
0x6d: {  	_ =	shalt  }
0x6e: {  	_ =	shalt  }
0x6f: {  	_ =	shalt  }
0x70: {  	_ =	shalt  }
0x71: {  	_ =	shalt  }
0x72: {  	_ =	shalt  }
0x73: {  	_ =	shalt  }
0x74: {  	_ =	shalt  }
0x75: {  	_ =	shalt  }
0x76: {  	_ =	shalt  }
0x77: {  	_ =	shalt  }
0x78: {  	_ =	shalt  }
0x79: {  	_ =	shalt  }
0x7a: {  	_ =	shalt  }
0x7b: {  	_ =	shalt  }
0x7c: {  	_ =	shalt  }
0x7d: {  	_ =	shalt  }
0x7e: {  	_ =	shalt  }
0x7f: {  	_ =	shalt  }
0x80: {  	_ =	shalt  }
0x81: {  	_ =	shalt  }
0x82: {  	_ =	shalt  }
0x83: {  	_ =	shalt  }
0x84: {  	_ =	shalt  }
0x85: {  	_ =	shalt  }
0x86: {  	_ =	shalt  }
0x87: {  	_ =	shalt  }
.Lfunc_end0:
.L_simem_size_0:
called_computation_lowered:
.L_overlay_start_0:
0x88: {  	s2 =	sld [smem:$0x3FD9]  }
0x89: {  	s3 =	sld [smem:$0x3FFE];
	_ =	sdelay $0x1  }
0x8a: {  	s1 =	srdreg.scid  }
0x8b: {  	s0 =	sand.u32 $0x1, s1  }
0x8c: {  	s17 =	sshll.u32 s0, $0xA;
	s2 =	sadd.s32 s3, s2  }
0x8d: {  	s2 =	sadd.s32 s2, s17  }
0x8e: {  	[smem:$0x3FC5] =	sst s2  }
0x8f: {  	_ = 	snop  }
0x90: {  	s2 =	sld [smem:$0x3FD0];
	(tm) =	ssettm $0x1  }
0x91: {  	s18 =	sld [smem:$0x3FFB];
	_ =	sdelay $0x3  }
0x92: {  	_ =	strace s18  }
0x93: {  	s3 =	sld [smem:$0x3FFC];
	_ =	sdelay $0x3  }
0x94: {  	_ =	strace s3  }
0x95: {  	s3 =	sld [smem:$0x3FFD];
	_ =	sdelay $0x3  }
0x96: {  	_ =	strace s3  }
0x97: {  	_ =	strace $0x8FFFFFFF  }
0x98: {  	s19 =	sld [smem:$0x3FDB];
	_ =	sdelay $0x1  }
0x99: {  	s4 =	simm.s32 $_scs_section_size  }
0x9a: {  	s5 =	simm.s32 $_size__tile_overlayer_lowered;
	s6 =	simm.s32 $_tile_overlayer_lowered  }
0x9b: {  	s22 =	simm.s32 $0x1BFF;
	s21 =	sshll.u32 s6, $0x1;
	s3 =	sadd.s32 s4, s19  }
0x9c: {  	s7 =	simm.s32 $0x0;
	s20 =	sshll.u32 s5, $0x1;
	s5 =	sadd.s32 s21, s3  }
0x9d: {  	[timem:s7], [sflag:s22] =	dma.local [hbm:s5], s20  }
0x9e: {  	_ =	swait.ge [sflag:s22], s20  }
0x9f: {  	s4 =	ssub.s32 $0x0, s20;
	[sflag:s22] =	ssyncset.done $0x0  }
0xa0: {  	[sflag:s22] =	ssyncadd.s32 s4;
	_ =	sdelay $0x1  }
0xa1: {  	s23 =	simm.s32 $0x1B8B  }
0xa2: {  	_ =	swait.ge [sflag:s23], $0x1  }
0xa3: {  	[sflag:s23] =	ssyncset.done $0x0  }
0xa4: {  	s25 =	simm.s32 $0x1B8E;
	s24 =	sld [smem:$0x3FFE];
	[sflag:s23] =	ssyncadd.s32 $0xFFFFFFFF  }
0xa5: {  	s26 =	simm.s32 $execute0_lowered;
	[smem:$0x3FD2] =	sst s25  }
0xa6: {  	s5 =	sshll.u32 s26, $0x1;
	_ =	strace $0x80000046;
	[dreg:$0x1] =	wrdreg $0xFFFFFFFF  }
0xa7: {  	s28 =	simm.s32 $_size_execute0_lowered;
	s3 =	sadd.s32 s3, s5;
	[dreg:$0x0] =	wrdreg $0x0  }
0xa8: {  	s5 =	sshll.u32 s28, $0x1;
	[dreg:$0x2] =	wrdreg s3  }
0xa9: {  	[dreg:$0x3] =	wrdreg s5  }
0xaa: {  	[dreg:$0x4] =	wrdreg $0xC0  }
0xab: {  	_ =	task [dreg:s7], $0x5FFFF  }
0xac: {  	[dreg:$0x1] =	wrdreg $0xFFFFFFFF  }
0xad: {  	[dreg:$0x0] =	wrdreg $0x60  }
0xae: {  	[dreg:$0x2] =	wrdreg s24  }
0xaf: {  	[dreg:$0x3] =	wrdreg s2  }
0xb0: {  	[dreg:$0x4] =	wrdreg $0x9  }
0xb1: {  	_ =	task.clear_ibuf [dreg:s7], $0x5FFFF;
	_ =	strace $0x90000046  }
0xb2: {  	s29 =	simm.s32 $0x9;
	_ =	strace $0x80000048  }
0xb3: {  	_ =	swait.ge [sflag:s29], $0x1  }
0xb4: {  	[sflag:s29] =	ssyncadd.s32 $0xFFFFFFFF  }
0xb5: {  	_ =	strace $0x90000048  }
0xb6: {  	_ =	sfence  }
0xb7: {  	s30 =	sld [smem:$0x0];
	_ =	sdelay $0x2  }
0xb8: {  	s31 =	sshll.u32 s1, $0xD;
	s1 =	sshrl.u32 s1, $0x2  }
0xb9: {  	s3 =	sand.u32 $0x4000, s31;
	s1 =	sadd.s32 s1, s30  }
0xba: {  	s0 =	sor.u32 s3, s0;
	s1 =	sshll.u32 s1, $0x11  }
0xbb: {  	s0 =	sor.u32 s1, s0  }
0xbc: {  	s0 =	sadd.s32 $0x8F2B, s0  }
0xbd: {  	[sflag:s0] =	ssyncadd.remote.s32 $0x1  }
0xbe: {  	_ =	sfence.sel $0xFFFF  }
0xbf: {  	[dreg:$0x0] =	wrdreg $0xFFFFFFFF;
	(pc) =	sbr.abs _section_cstart, $3  }
0xc0: {  	[dreg:$0x1] =	wrdreg $0xFFFFFFFF  }
0xc1: {  	_ =	task.clear_ibuf [dreg:s7], $0x2FFFF;
	_ =	strace $0x9FFFFFFF  }
0xc2: {  	(tm) =	ssettm $0x7FFFFFFF  }
0xc3: {  	_ =	shalt  }
tec
execute0_lowered:
.L_overlay_start_1:
0x0: {  	(tag) =	ssettag $0x1  }
0x1: {  	s1 =	srdreg.scid;
	s0 =	stileid.u32  }
0x2: {  	s7 =	rddreg [dreg:$0x0];
	s8 =	sand.u32 $0x1, s1;
	s4 =	sshll.u32 s0, $0x1  }
0x3: {  	s3 =	rddreg [dreg:$0x1];
	s2 =	simm.s32 $0x0;
	s4 =	sor.u32 s8, s4  }
0x4: {  	[smem:$0x7FF] =	sst s2;
	s5 =	smul.u32 $0x14, s4  }
0x5: {  	s1 =	rddreg [dreg:$0x2];
	_ =	strace $0x80000047  }
0x6: {  	s6 =	smul.u32 $0x140, s4;
	s4 =	simm.s32 $0x2;
	s3 =	sadd.s32 s3, s5  }
0x7: {  	[tilespmem:s2], [sflag:$0x2] =	stream.linear.gather [hbm4b:s3+s2], $0xA0, $0x38;
	[tilespmem:$0xAA0] =	vst v63  }
0x8: {  	_ =	swait.ge [sflag:s4], $0xA0  }
0x9: {  	s10 =	ssub.s32 $0x2, s8;
	s31 =	sadd.s32 s6, s7;
	[sflag:s4] =	ssyncset.done $0x0  }
0xa: {  	s6 =	simm.s32 $0xA0;
	s5 =	sadd.s32 $0x200, s31;
	[sflag:s4] =	ssyncadd.s32 $0xFFFFFF60  }
0xb: {  	[tilespmem:s6], [sflag:$0x2] =	stream.linear.gather [hbm4b:s5+s2], $0xA00, $0x38;
	[tilespmem:$0xAA0] =	vst v63  }
0xc: {  	s9 =	simm.s32 $0x50;
	s11 =	sshrl.u32 s10, $0x1;
	_ =	swait.ge [sflag:s4], $0xA00  }
0xd: {  	s8 =	simm.s32 $0x1;
	s10 =	ssub.s32 s10, s11;
	[sflag:s4] =	ssyncset.done $0x0  }
0xe: {  	s7 =	sadd.s32 $0x2A00, s7;
	s11 =	smax.u32 s10, $0x1;
	[sflag:s4] =	ssyncadd.s32 $0xFFFFF600  }
0xf: {  	[hbm4b:s7+s9] =	stream.indirect.scatter [tilespmem:s6], [sflag:$0x1], $0x10, s2, s9, $0xb8;
	[tilespmem:$0xAA0] =	vst v63  }
0x10: {  	p0 =	sne.s32 s11, $0x1;
	_ =	swait.ge [sflag:s8], $0x500  }
.Ltmp0:
0x11: {  	[sflag:s8] =	ssyncset.done $0x0;
	(pc) =	sbr.rel @!p0 .LBB2_2-.Ltmp0, $4  }
0x12: {  	s10 =	simm.s32 $0x5A0;
	[sflag:s8] =	ssyncadd.s32 $0xFFFFFB00  }
0x13: {  	[hbm4b:s7+s9] =	stream.indirect.scatter [tilespmem:s10], [sflag:$0x1], $0x10, s9, s9, $0xb8;
	[tilespmem:$0xAA0] =	vst v63  }
0x14: {  	_ =	swait.ge [sflag:s8], $0x500  }
0x15: {  	s11 =	sadd.s32 $0xFFFFFFFF, s11;
	[sflag:s8] =	ssyncset.done $0x0  }
.LBB2_1:
0x16: {  	p0 =	sne.s32 s11, $0x1;
	s11 =	sadd.s32 $0xFFFFFFFF, s11;
	[sflag:s8] =	ssyncadd.s32 $0xFFFFFB00  }
0x17: {  	[tilespmem:s2], [sflag:$0x2] =	stream.linear.gather [hbm4b:s3+s2], $0xA0, $0x38;
	[tilespmem:$0xAA0] =	vst v63  }
0x18: {  	_ =	swait.ge [sflag:s4], $0xA0  }
0x19: {  	[sflag:s4] =	ssyncset.done $0x0  }
0x1a: {  	[sflag:s4] =	ssyncadd.s32 $0xFFFFFF60  }
0x1b: {  	[tilespmem:s6], [sflag:$0x2] =	stream.linear.gather [hbm4b:s5+s2], $0xA00, $0x38;
	[tilespmem:$0xAA0] =	vst v63  }
0x1c: {  	_ =	swait.ge [sflag:s4], $0xA00  }
0x1d: {  	[sflag:s4] =	ssyncset.done $0x0  }
0x1e: {  	[sflag:s4] =	ssyncadd.s32 $0xFFFFF600  }
0x1f: {  	[hbm4b:s7+s9] =	stream.indirect.scatter [tilespmem:s6], [sflag:$0x1], $0x10, s2, s9, $0xb8;
	[tilespmem:$0xAA0] =	vst v63  }
0x20: {  	_ =	swait.ge [sflag:s8], $0x500  }
.Ltmp1:
0x21: {  	[sflag:s8] =	ssyncset.done $0x0;
	(pc) =	sbr.rel @p0 .LBB2_1-.Ltmp1, $4  }
0x22: {  	[sflag:s8] =	ssyncadd.s32 $0xFFFFFB00  }
0x23: {  	[hbm4b:s7+s9] =	stream.indirect.scatter [tilespmem:s10], [sflag:$0x1], $0x10, s9, s9, $0xb8;
	[tilespmem:$0xAA0] =	vst v63  }
0x24: {  	_ =	swait.ge [sflag:s8], $0x500  }
0x25: {  	[sflag:s8] =	ssyncset.done $0x0  }
.LBB2_2:
0x26: {  	[sflag:s8] =	ssyncadd.s32 $0xFFFFFB00  }
0x27: {  	_ =	sfence.sel $0x180000  }
0x28: {  	[bflag:$0x0] =	sbarrier.arrive $0xFFFF  }
0x29: {  	p0 =	sne.s32 s0, $0x0;
	_ =	strace $0x90000047  }
0x2a: {  	s0 =	sadd.s32 @!p0 $0x100000, s1;
	[bflag:$0x2] =	sbarrier.arrive $0xFFFF  }
0x2b: {  	[sflag:s0] =	ssyncadd.tile.s32 @!p0 $0x1;
	_ =	shalt  }
.Lfunc_end2:
_tile_overlayer_lowered:
.L_overlay_start_2:
0x2c: {  	(tag) =	ssettag $0x2  }
0x2d: {  	s0 =	rddreg [dreg:$0x0];
	s2 =	stileid.u32  }
0x2e: {  	s1 =	rddreg [dreg:$0x1];
	p0 =	sne.s32 s2, $0x0  }
0x2f: {  	s3 =	rddreg [dreg:$0x2];
	[bflag:$0x3] =	sbarrier.arrive $0xFFFF;
	s2 =	simm.s32 @!p0 $0x1C02  }
0x30: {  	[timem:s3], [sflag:s2] =	dma.local @!p0 [hbm:s0], s1  }
0x31: {  	s0 =	simm.s32 @!p0 $0x2  }
0x32: {  	_ =	swait.ge @!p0 [sflag:s0], s1  }
0x33: {  	s1 =	ssub.s32 @!p0 $0x0, s1;
	[sflag:s0] =	ssyncset.done @!p0 $0x0  }
0x34: {  	[sflag:s0] =	ssyncadd.s32 @!p0 s1  }
0x35: {  	[bflag:$0x3] =	sbarrier.arrive $0xFFFF  }
0x36: {  	_ =	shalt  }

</sc_bundles>
